<compile_context>
chip_gen: v7x
topology: tpu7x:2x2x1
jax: 0.10.2.dev20260603
libtpu: 0.0.44.dev20260713+nightly
codegen_flags: <defaults>
</compile_context>

<pallas_src>
import functools

import jax
import jax.numpy as jnp
from jax import lax
from jax.experimental import pallas as pl
from jax.experimental.pallas import tpu as pltpu
from jax.experimental.pallas import tpu_sc as plsc

N = 10000
E = 320000
NB = 16
EPS = 1e-5
F = 64
H = 1024
NG = 16
GW = H // NG

NC, NS = 2, 16
NW = NC * NS
E_PER_W = E // NW
CH = 80
N_CH = E_PER_W // CH

BE = 1280
HW = 16


def _encoder_body(x_ref, pos_ref, we1, be1, we2, be2, we3, be3,
                  wp1, bp1, wp2, bp2, wp3, bp3, feat_ref):
    x = x_ref[...]
    h = jnp.maximum(x * we1[...] + be1[...], 0.0)
    h = jnp.maximum(jnp.dot(h, we2[...], preferred_element_type=jnp.float32)
                    + be2[...], 0.0)
    xe = jnp.dot(h, we3[...], preferred_element_type=jnp.float32) + be3[...]
    p = jnp.maximum(jnp.dot(pos_ref[...], wp1[...],
                            preferred_element_type=jnp.float32) + bp1[...], 0.0)
    p = jnp.maximum(jnp.dot(p, wp2[...], preferred_element_type=jnp.float32)
                    + bp2[...], 0.0)
    pe = jnp.dot(p, wp3[...], preferred_element_type=jnp.float32) + bp3[...]
    feat_ref[...] = jnp.concatenate([xe, pe], axis=1)


def _gather_body(feat_hbm, src_hbm, dst_hbm, xi_hbm, xj_hbm,
                 idx_v, rows_v, sem):
    wid = lax.axis_index("s") * NC + lax.axis_index("c")
    base = wid * E_PER_W

    def step(i, carry):
        off = base + i * CH
        pltpu.sync_copy(dst_hbm.at[pl.ds(off, CH)], idx_v)
        pltpu.async_copy(feat_hbm.at[idx_v], rows_v, sem).wait()
        pltpu.sync_copy(rows_v, xi_hbm.at[pl.ds(off, CH)])
        pltpu.sync_copy(src_hbm.at[pl.ds(off, CH)], idx_v)
        pltpu.async_copy(feat_hbm.at[idx_v], rows_v, sem).wait()
        pltpu.sync_copy(rows_v, xj_hbm.at[pl.ds(off, CH)])
        return carry

    lax.fori_loop(0, N_CH, step, 0)


def _groupnorm_block(h, gmat, emat, gs, gb):
    f32 = jnp.float32
    bf16 = jnp.bfloat16
    hb = h.astype(bf16)
    mu = jnp.dot(hb, gmat, preferred_element_type=f32)
    m2 = jnp.dot(hb * hb, gmat, preferred_element_type=f32)
    inv = lax.rsqrt(m2 - mu * mu + EPS)
    muf = jnp.dot(mu.astype(bf16), emat, preferred_element_type=f32)
    invf = jnp.dot(inv.astype(bf16), emat, preferred_element_type=f32)
    return ((h - muf) * invf) * gs + gb


def _edge_mlp_body(xi_ref, xj_ref, w1d, w1b, w2, w3, bl3,
                   g1s, g1b, g2s, g2b, gmat, emat, out_ref):
    f32 = jnp.float32
    bf16 = jnp.bfloat16
    h = (jnp.dot(xi_ref[...].astype(bf16), w1d[...],
                 preferred_element_type=f32)
         + jnp.dot(xj_ref[...].astype(bf16), w1b[...],
                   preferred_element_type=f32))
    h = _groupnorm_block(h, gmat[...], emat[...], g1s[...], g1b[...])
    h = jnp.maximum(h, 0.0)
    h = jnp.dot(h.astype(bf16), w2[...], preferred_element_type=f32)
    h = _groupnorm_block(h, gmat[...], emat[...], g2s[...], g2b[...])
    h = jnp.maximum(h, 0.0)
    out_ref[...] = jnp.dot(h, w3[...], preferred_element_type=f32) + bl3[...]


def _scatter_body(h3_hbm, dst_hbm, zeros_hbm, out_hbm, idx_v, rows_v, shared):
    cid = lax.axis_index("c")
    sid = lax.axis_index("s")
    wid = sid * NC + cid
    base = wid * E_PER_W

    @pl.when(sid == 0)
    def _():
        pltpu.sync_copy(zeros_hbm, shared)

    plsc.subcore_barrier()

    def step(i, carry):
        off = base + i * CH
        pltpu.sync_copy(dst_hbm.at[pl.ds(off, CH)], idx_v)
        pltpu.sync_copy(h3_hbm.at[pl.ds(off, CH)], rows_v)
        pltpu.sync_copy(rows_v, shared.at[idx_v], add=True)
        return carry

    lax.fori_loop(0, N_CH, step, 0)
    plsc.subcore_barrier()

    @pl.when(sid == 0)
    def _():
        pltpu.sync_copy(shared, out_hbm.at[cid])


def _pool_body(parts_ref, batch_ref, q_ref):
    ns = (parts_ref[0] + parts_ref[1])[:, :4]
    b = batch_ref[...]
    neg = jnp.float32(-jnp.inf)
    cols = []
    for g in range(NB):
        vals = jnp.where(b == g, ns, neg)
        cols.append(jnp.max(vals, axis=0, keepdims=True))
    q = jnp.concatenate(cols, axis=0)
    q_ref[...] = jnp.where(jnp.isfinite(q), q, 0.0)


def kernel(x, pos, edge_index, batch, size,
           We1, be1, We2, be2, We3, be3,
           Wp1, bp1, Wp2, bp2, Wp3, bp3,
           Wl1, g1s, g1b, Wl2, g2s, g2b, Wl3, bl3):
    f32 = jnp.float32
    src = edge_index[0]
    dst = edge_index[1]

    r = lambda v: v.reshape(1, -1)
    feature = pl.pallas_call(
        _encoder_body,
        out_shape=jax.ShapeDtypeStruct((N, F), f32),
    )(x, pos, r(We1), r(be1), We2, r(be2), We3, r(be3),
      Wp1, r(bp1), Wp2, r(bp2), Wp3, r(bp3))

    mesh = plsc.VectorSubcoreMesh(core_axis_name="c", subcore_axis_name="s")
    xi, xj = pl.kernel(
        _gather_body,
        out_type=[jax.ShapeDtypeStruct((E, F), f32),
                  jax.ShapeDtypeStruct((E, F), f32)],
        mesh=mesh,
        scratch_types=[pltpu.VMEM((CH,), jnp.int32),
                       pltpu.VMEM((CH, F), f32),
                       pltpu.SemaphoreType.DMA],
        compiler_params=pltpu.CompilerParams(use_tc_tiling_on_sc=False),
    )(feature, src, dst)

    bf16 = jnp.bfloat16
    w1a, w1b = Wl1[:F], Wl1[F:]
    w1d = (w1a - w1b).astype(bf16)
    w1bb = w1b.astype(bf16)
    w2b = Wl2.astype(bf16)
    w3p = jnp.pad(Wl3, ((0, 0), (0, HW - 4)))
    bl3p = jnp.pad(bl3, (0, HW - 4))
    gidx = jnp.arange(H, dtype=jnp.int32) // GW
    gmat = (jax.nn.one_hot(gidx, NG, dtype=bf16) / GW)
    emat = jax.nn.one_hot(gidx, NG, dtype=bf16).T

    h3 = pl.pallas_call(
        _edge_mlp_body,
        grid=(E // BE,),
        in_specs=[
            pl.BlockSpec((BE, F), lambda i: (i, 0)),
            pl.BlockSpec((BE, F), lambda i: (i, 0)),
            pl.BlockSpec((F, H), lambda i: (0, 0)),
            pl.BlockSpec((F, H), lambda i: (0, 0)),
            pl.BlockSpec((H, H), lambda i: (0, 0)),
            pl.BlockSpec((H, HW), lambda i: (0, 0)),
            pl.BlockSpec((1, HW), lambda i: (0, 0)),
            pl.BlockSpec((1, H), lambda i: (0, 0)),
            pl.BlockSpec((1, H), lambda i: (0, 0)),
            pl.BlockSpec((1, H), lambda i: (0, 0)),
            pl.BlockSpec((1, H), lambda i: (0, 0)),
            pl.BlockSpec((H, NG), lambda i: (0, 0)),
            pl.BlockSpec((NG, H), lambda i: (0, 0)),
        ],
        out_specs=pl.BlockSpec((BE, HW), lambda i: (i, 0)),
        out_shape=jax.ShapeDtypeStruct((E, HW), f32),
        compiler_params=pltpu.CompilerParams(
            dimension_semantics=("arbitrary",)),
    )(xi, xj, w1d, w1bb, w2b, w3p, r(bl3p),
      r(g1s), r(g1b), r(g2s), r(g2b), gmat, emat)

    parts = pl.kernel(
        _scatter_body,
        out_type=jax.ShapeDtypeStruct((NC, N, HW), f32),
        mesh=mesh,
        scratch_types=[pltpu.VMEM((CH,), jnp.int32),
                       pltpu.VMEM((CH, HW), f32),
                       pltpu.VMEM_SHARED((N, HW), f32)],
        compiler_params=pltpu.CompilerParams(use_tc_tiling_on_sc=False),
    )(h3, dst, jnp.zeros((N, HW), f32))

    q = pl.pallas_call(
        _pool_body,
        out_shape=jax.ShapeDtypeStruct((NB, 4), f32),
    )(parts, batch.reshape(N, 1))

    return q, feature

# --- scband reference (transcript-rebuilt; emitter-appended) ---
"""Pipeline reference for scband-edge-conv-2508260901518 (READ-ONLY COPY).

The authoritative reference and input builder live on the scoring server;
editing this copy changes nothing except your own understanding.
"""

import jax, jax.numpy as jnp
import numpy as np

N = 10000
E = 320000
B = 16
EPS = 1e-5


def _lin(k, fi, fo):
    return (jax.random.normal(k, (fi, fo), dtype=jnp.float32) / np.sqrt(fi)).astype(jnp.float32)


def setup_inputs(seed: int = 0) -> dict:
    key = jax.random.key(seed)
    ks = jax.random.split(key, 16)
    inp = {}
    inp["x"] = jax.random.normal(ks[0], (N, 1), dtype=jnp.float32)
    inp["pos"] = jax.random.normal(ks[1], (N, 4), dtype=jnp.float32)
    inp["edge_index"] = jax.random.randint(ks[2], (2, E), 0, N, dtype=jnp.int32)
    inp["batch"] = jnp.sort(jax.random.randint(ks[3], (N,), 0, B, dtype=jnp.int32))
    inp["size"] = B
    # encoder (input_dim=1 -> 32 -> 32 -> 32)
    inp["We1"] = _lin(ks[4], 1, 32);  inp["be1"] = jnp.zeros((32,), jnp.float32)
    inp["We2"] = _lin(ks[5], 32, 32); inp["be2"] = jnp.zeros((32,), jnp.float32)
    inp["We3"] = _lin(ks[6], 32, 32); inp["be3"] = jnp.zeros((32,), jnp.float32)
    # encoder_pos (pos_dim=4 -> 32 -> 32 -> 32)
    inp["Wp1"] = _lin(ks[7], 4, 32);  inp["bp1"] = jnp.zeros((32,), jnp.float32)
    inp["Wp2"] = _lin(ks[8], 32, 32); inp["bp2"] = jnp.zeros((32,), jnp.float32)
    inp["Wp3"] = _lin(ks[9], 32, 32); inp["bp3"] = jnp.zeros((32,), jnp.float32)
    # local_nn: Linear(128,1024,nobias), GN(16,1024), ReLU, Linear(1024,1024,nobias), GN(16,1024), ReLU, Linear(1024,4)
    inp["Wl1"] = _lin(ks[10], 128, 1024)
    inp["g1s"] = jnp.ones((1024,), jnp.float32); inp["g1b"] = jnp.zeros((1024,), jnp.float32)
    inp["Wl2"] = _lin(ks[11], 1024, 1024)
    inp["g2s"] = jnp.ones((1024,), jnp.float32); inp["g2b"] = jnp.zeros((1024,), jnp.float32)
    inp["Wl3"] = _lin(ks[12], 1024, 4); inp["bl3"] = jnp.zeros((4,), jnp.float32)
    return inp


def _groupnorm(h, scale, bias, groups=16, eps=EPS):
    e, c = h.shape
    hg = h.reshape(e, groups, c // groups)
    mu = jnp.mean(hg, axis=2, keepdims=True)
    var = jnp.mean((hg - mu) ** 2, axis=2, keepdims=True)
    hn = ((hg - mu) / jnp.sqrt(var + eps)).reshape(e, c)
    return hn * scale + bias


def _mlp3(h, W1, b1, W2, b2, W3, b3):
    h = jax.nn.relu(h @ W1 + b1)
    h = jax.nn.relu(h @ W2 + b2)
    return h @ W3 + b3


def reference(x, pos, edge_index, batch, size,
              We1, be1, We2, be2, We3, be3,
              Wp1, bp1, Wp2, bp2, Wp3, bp3,
              Wl1, g1s, g1b, Wl2, g2s, g2b, Wl3, bl3):
    xe = _mlp3(x, We1, be1, We2, be2, We3, be3)          # [N,32]
    pe = _mlp3(pos, Wp1, bp1, Wp2, bp2, Wp3, bp3)        # [N,32]
    feature = jnp.concatenate([xe, pe], axis=1)          # [N,64]
    src = edge_index[0]
    dst = edge_index[1]
    x_i = feature[dst]                                    # target node feats [E,64]
    x_j = feature[src]                                    # source node feats [E,64]
    m = jnp.concatenate([x_i, x_j - x_i], axis=1)        # [E,128]
    h = m @ Wl1
    h = jax.nn.relu(_groupnorm(h, g1s, g1b))
    h = h @ Wl2
    h = jax.nn.relu(_groupnorm(h, g2s, g2b))
    h = h @ Wl3 + bl3                                     # [E,4]
    node_out = jax.ops.segment_sum(h, dst, num_segments=N)   # aggr='add' in EdgeConv
    seg_ids = batch + jnp.asarray(0, jnp.int32) * jnp.asarray(size, jnp.int32)
    q = jax.ops.segment_max(node_out, seg_ids, num_segments=B)  # global_max_pool
    q = jnp.where(jnp.isfinite(q), q, 0.0)
    return q, feature

if __name__ == "__main__":
    import jax
    _d = setup_inputs()
    print(jax.jit(kernel)(*tuple(_d.values())))

</pallas_src>

<mosaic_0001>
#map = affine_map<(d0, d1) -> (0, 0)>
#map1 = affine_map<(d0, d1) -> (0)>
module attributes {stable_mosaic.version = 14 : i64} {
  func.func @_gather_body(%arg0: i32, %arg1: i32, %arg2: memref<10000x64xf32, #tpu.memory_space<hbm>>, %arg3: memref<320000xi32, #tpu.memory_space<hbm>>, %arg4: memref<320000xi32, #tpu.memory_space<hbm>>, %arg5: memref<320000x64xf32, #tpu.memory_space<hbm>>, %arg6: memref<320000x64xf32, #tpu.memory_space<hbm>>, %arg7: memref<80xi32, #tpu.memory_space<vmem>>, %arg8: memref<80x64xf32, #tpu.memory_space<vmem>>, %arg9: memref<!tpu.dma_semaphore, #tpu.memory_space<semaphore_mem>>) attributes {dimension_semantics = [#tpu.dimension_semantics<core_parallel>, #tpu.dimension_semantics<subcore_parallel>], iteration_bounds = array<i64: 2, 16>, scalar_prefetch = 0 : i64, scratch_operands = 3 : i64, tpu.core_type = #tpu.core_type<sc_vector_subcore>, window_params = [{transform_indices = #map}, {transform_indices = #map1}, {transform_indices = #map1}, {transform_indices = #map}, {transform_indices = #map}]} {
    %mul3A = arith.constant 2 : i32
    %mul3A_0 = arith.muli %arg1, %mul3A : i32
    %add3A = arith.addi %mul3A_0, %arg0 : i32
    %mul3A_1 = arith.constant 10000 : i32
    %mul3A_2 = arith.muli %add3A, %mul3A_1 : i32
    %scan3A = arith.constant 0 : i32
    %scan3A_3 = arith.constant 0 : i32
    %scan3A_4 = arith.constant 125 : i32
    %scan3A_5 = arith.addi %scan3A_3, %scan3A_4 : i32
    %scan3A_6 = arith.constant 1 : i32
    scf.for %scan3A_8 = %scan3A_3 to %scan3A_5 step %scan3A_6  : i32 {
      %mul3A_9 = arith.constant 80 : i32
      %mul3A_10 = arith.muli %scan3A_8, %mul3A_9 : i32
      %add3A_11 = arith.addi %mul3A_2, %mul3A_10 : i32
      "tpu.region"() ({
        %run_scoped3A = tpu.sem_alloc : memref<!tpu.dma_semaphore, #tpu.memory_space<semaphore_mem>>
        %dma_start3A_22 = tpu.memref_slice %arg4[%add3A_11] : memref<320000xi32, #tpu.memory_space<hbm>> -> memref<80xi32, #tpu.memory_space<hbm>>
        %dma_start3A_23 = tpu.memref_slice %arg4[%add3A_11] : memref<320000xi32, #tpu.memory_space<hbm>> -> memref<80xi32, #tpu.memory_space<hbm>>
        tpu.enqueue_dma source(%dma_start3A_23 : memref<80xi32, #tpu.memory_space<hbm>>) target(%arg7 : memref<80xi32, #tpu.memory_space<vmem>>) target_semaphore(%run_scoped3A : memref<!tpu.dma_semaphore, #tpu.memory_space<semaphore_mem>>)
        %dma_wait3A_24 = tpu.memref_slice %arg4[%add3A_11] : memref<320000xi32, #tpu.memory_space<hbm>> -> memref<80xi32, #tpu.memory_space<hbm>>
        %dma_wait3A_25 = tpu.memref_slice %arg4[%add3A_11] : memref<320000xi32, #tpu.memory_space<hbm>> -> memref<80xi32, #tpu.memory_space<hbm>>
        tpu.wait_dma2 semaphore(%run_scoped3A : memref<!tpu.dma_semaphore, #tpu.memory_space<semaphore_mem>>) src(%dma_wait3A_25 : memref<80xi32, #tpu.memory_space<hbm>>) dst(%arg7 : memref<80xi32, #tpu.memory_space<vmem>>)
        tpu.yield
      }) : () -> ()
      %dma_start3A = arith.constant 0 : i32
      %dma_start3A_12 = arith.constant 0 : i32
      %dma_start3A_13 = tpu.memref_slice %arg2[%dma_start3A, %dma_start3A_12] : memref<10000x64xf32, #tpu.memory_space<hbm>> -> memref<10000x64xf32, #tpu.memory_space<hbm>>
      tpu.enqueue_indirect_dma source(%dma_start3A_13 : memref<10000x64xf32, #tpu.memory_space<hbm>>) target(%arg8 : memref<80x64xf32, #tpu.memory_space<vmem>>) offsets(%arg7 : memref<80xi32, #tpu.memory_space<vmem>>) semaphore(%arg9 : memref<!tpu.dma_semaphore, #tpu.memory_space<semaphore_mem>>)
      %dma_wait3A = arith.constant 0 : i32
      %dma_wait3A_14 = arith.constant 0 : i32
      %dma_wait3A_15 = tpu.memref_slice %arg2[%dma_wait3A, %dma_wait3A_14] : memref<10000x64xf32, #tpu.memory_space<hbm>> -> memref<10000x64xf32, #tpu.memory_space<hbm>>
      tpu.wait_indirect_dma semaphore(%arg9 : memref<!tpu.dma_semaphore, #tpu.memory_space<semaphore_mem>>) src(%dma_wait3A_15 : memref<10000x64xf32, #tpu.memory_space<hbm>>) dst(%arg8 : memref<80x64xf32, #tpu.memory_space<vmem>>)
      "tpu.region"() ({
        %run_scoped3A = tpu.sem_alloc : memref<!tpu.dma_semaphore, #tpu.memory_space<semaphore_mem>>
        %dma_start3A_22 = arith.constant 0 : i32
        %dma_start3A_23 = tpu.memref_slice %arg5[%add3A_11, %dma_start3A_22] : memref<320000x64xf32, #tpu.memory_space<hbm>> -> memref<80x64xf32, #tpu.memory_space<hbm>>
        %dma_start3A_24 = arith.constant 0 : i32
        %dma_start3A_25 = tpu.memref_slice %arg5[%add3A_11, %dma_start3A_24] : memref<320000x64xf32, #tpu.memory_space<hbm>> -> memref<80x64xf32, #tpu.memory_space<hbm>>
        tpu.enqueue_dma source(%arg8 : memref<80x64xf32, #tpu.memory_space<vmem>>) target(%dma_start3A_25 : memref<80x64xf32, #tpu.memory_space<hbm>>) target_semaphore(%run_scoped3A : memref<!tpu.dma_semaphore, #tpu.memory_space<semaphore_mem>>)
        %dma_wait3A_26 = arith.constant 0 : i32
        %dma_wait3A_27 = tpu.memref_slice %arg5[%add3A_11, %dma_wait3A_26] : memref<320000x64xf32, #tpu.memory_space<hbm>> -> memref<80x64xf32, #tpu.memory_space<hbm>>
        %dma_wait3A_28 = arith.constant 0 : i32
        %dma_wait3A_29 = tpu.memref_slice %arg5[%add3A_11, %dma_wait3A_28] : memref<320000x64xf32, #tpu.memory_space<hbm>> -> memref<80x64xf32, #tpu.memory_space<hbm>>
        tpu.wait_dma2 semaphore(%run_scoped3A : memref<!tpu.dma_semaphore, #tpu.memory_space<semaphore_mem>>) src(%arg8 : memref<80x64xf32, #tpu.memory_space<vmem>>) dst(%dma_wait3A_29 : memref<80x64xf32, #tpu.memory_space<hbm>>)
        tpu.yield
      }) : () -> ()
      "tpu.region"() ({
        %run_scoped3A = tpu.sem_alloc : memref<!tpu.dma_semaphore, #tpu.memory_space<semaphore_mem>>
        %dma_start3A_22 = tpu.memref_slice %arg3[%add3A_11] : memref<320000xi32, #tpu.memory_space<hbm>> -> memref<80xi32, #tpu.memory_space<hbm>>
        %dma_start3A_23 = tpu.memref_slice %arg3[%add3A_11] : memref<320000xi32, #tpu.memory_space<hbm>> -> memref<80xi32, #tpu.memory_space<hbm>>
        tpu.enqueue_dma source(%dma_start3A_23 : memref<80xi32, #tpu.memory_space<hbm>>) target(%arg7 : memref<80xi32, #tpu.memory_space<vmem>>) target_semaphore(%run_scoped3A : memref<!tpu.dma_semaphore, #tpu.memory_space<semaphore_mem>>)
        %dma_wait3A_24 = tpu.memref_slice %arg3[%add3A_11] : memref<320000xi32, #tpu.memory_space<hbm>> -> memref<80xi32, #tpu.memory_space<hbm>>
        %dma_wait3A_25 = tpu.memref_slice %arg3[%add3A_11] : memref<320000xi32, #tpu.memory_space<hbm>> -> memref<80xi32, #tpu.memory_space<hbm>>
        tpu.wait_dma2 semaphore(%run_scoped3A : memref<!tpu.dma_semaphore, #tpu.memory_space<semaphore_mem>>) src(%dma_wait3A_25 : memref<80xi32, #tpu.memory_space<hbm>>) dst(%arg7 : memref<80xi32, #tpu.memory_space<vmem>>)
        tpu.yield
      }) : () -> ()
      %dma_start3A_16 = arith.constant 0 : i32
      %dma_start3A_17 = arith.constant 0 : i32
      %dma_start3A_18 = tpu.memref_slice %arg2[%dma_start3A_16, %dma_start3A_17] : memref<10000x64xf32, #tpu.memory_space<hbm>> -> memref<10000x64xf32, #tpu.memory_space<hbm>>
      tpu.enqueue_indirect_dma source(%dma_start3A_18 : memref<10000x64xf32, #tpu.memory_space<hbm>>) target(%arg8 : memref<80x64xf32, #tpu.memory_space<vmem>>) offsets(%arg7 : memref<80xi32, #tpu.memory_space<vmem>>) semaphore(%arg9 : memref<!tpu.dma_semaphore, #tpu.memory_space<semaphore_mem>>)
      %dma_wait3A_19 = arith.constant 0 : i32
      %dma_wait3A_20 = arith.constant 0 : i32
      %dma_wait3A_21 = tpu.memref_slice %arg2[%dma_wait3A_19, %dma_wait3A_20] : memref<10000x64xf32, #tpu.memory_space<hbm>> -> memref<10000x64xf32, #tpu.memory_space<hbm>>
      tpu.wait_indirect_dma semaphore(%arg9 : memref<!tpu.dma_semaphore, #tpu.memory_space<semaphore_mem>>) src(%dma_wait3A_21 : memref<10000x64xf32, #tpu.memory_space<hbm>>) dst(%arg8 : memref<80x64xf32, #tpu.memory_space<vmem>>)
      "tpu.region"() ({
        %run_scoped3A = tpu.sem_alloc : memref<!tpu.dma_semaphore, #tpu.memory_space<semaphore_mem>>
        %dma_start3A_22 = arith.constant 0 : i32
        %dma_start3A_23 = tpu.memref_slice %arg6[%add3A_11, %dma_start3A_22] : memref<320000x64xf32, #tpu.memory_space<hbm>> -> memref<80x64xf32, #tpu.memory_space<hbm>>
        %dma_start3A_24 = arith.constant 0 : i32
        %dma_start3A_25 = tpu.memref_slice %arg6[%add3A_11, %dma_start3A_24] : memref<320000x64xf32, #tpu.memory_space<hbm>> -> memref<80x64xf32, #tpu.memory_space<hbm>>
        tpu.enqueue_dma source(%arg8 : memref<80x64xf32, #tpu.memory_space<vmem>>) target(%dma_start3A_25 : memref<80x64xf32, #tpu.memory_space<hbm>>) target_semaphore(%run_scoped3A : memref<!tpu.dma_semaphore, #tpu.memory_space<semaphore_mem>>)
        %dma_wait3A_26 = arith.constant 0 : i32
        %dma_wait3A_27 = tpu.memref_slice %arg6[%add3A_11, %dma_wait3A_26] : memref<320000x64xf32, #tpu.memory_space<hbm>> -> memref<80x64xf32, #tpu.memory_space<hbm>>
        %dma_wait3A_28 = arith.constant 0 : i32
        %dma_wait3A_29 = tpu.memref_slice %arg6[%add3A_11, %dma_wait3A_28] : memref<320000x64xf32, #tpu.memory_space<hbm>> -> memref<80x64xf32, #tpu.memory_space<hbm>>
        tpu.wait_dma2 semaphore(%run_scoped3A : memref<!tpu.dma_semaphore, #tpu.memory_space<semaphore_mem>>) src(%arg8 : memref<80x64xf32, #tpu.memory_space<vmem>>) dst(%dma_wait3A_29 : memref<80x64xf32, #tpu.memory_space<hbm>>)
        tpu.yield
      }) : () -> ()
    }
    %scan3A_7 = arith.constant 125 : i32
    return
  }
}

#map = affine_map<(d0, d1) -> (0, 0)>
#map1 = affine_map<(d0, d1) -> (0)>
#map2 = affine_map<(d0, d1) -> (0, 0, 0)>
module attributes {stable_mosaic.version = 14 : i64} {
  func.func @_scatter_body(%arg0: i32, %arg1: i32, %arg2: memref<320000x16xf32, #tpu.memory_space<hbm>>, %arg3: memref<320000xi32, #tpu.memory_space<hbm>>, %arg4: memref<10000x16xf32, #tpu.memory_space<hbm>>, %arg5: memref<2x10000x16xf32, #tpu.memory_space<hbm>>, %arg6: memref<80xi32, #tpu.memory_space<vmem>>, %arg7: memref<80x16xf32, #tpu.memory_space<vmem>>, %arg8: memref<10000x16xf32, #tpu.memory_space<vmem_shared>>) attributes {dimension_semantics = [#tpu.dimension_semantics<core_parallel>, #tpu.dimension_semantics<subcore_parallel>], iteration_bounds = array<i64: 2, 16>, scalar_prefetch = 0 : i64, scratch_operands = 3 : i64, tpu.core_type = #tpu.core_type<sc_vector_subcore>, window_params = [{transform_indices = #map}, {transform_indices = #map1}, {transform_indices = #map}, {transform_indices = #map2}]} {
    %mul3A = arith.constant 2 : i32
    %mul3A_0 = arith.muli %arg1, %mul3A : i32
    %add3A = arith.addi %mul3A_0, %arg0 : i32
    %mul3A_1 = arith.constant 10000 : i32
    %mul3A_2 = arith.muli %add3A, %mul3A_1 : i32
    %eq3A = arith.constant 0 : i32
    %eq3A_3 = arith.cmpi eq, %arg1, %eq3A : i32
    %convert_element_type3A = arith.extui %eq3A_3 : i1 to i32
    %cond3A = arith.constant 0 : i32
    %cond3A_4 = arith.cmpi ne, %convert_element_type3A, %cond3A : i32
    scf.if %cond3A_4 {
      "tpu.region"() ({
        %run_scoped3A = tpu.sem_alloc : memref<!tpu.dma_semaphore, #tpu.memory_space<semaphore_mem>>
        tpu.enqueue_dma source(%arg4 : memref<10000x16xf32, #tpu.memory_space<hbm>>) target(%arg8 : memref<10000x16xf32, #tpu.memory_space<vmem_shared>>) target_semaphore(%run_scoped3A : memref<!tpu.dma_semaphore, #tpu.memory_space<semaphore_mem>>)
        tpu.wait_dma2 semaphore(%run_scoped3A : memref<!tpu.dma_semaphore, #tpu.memory_space<semaphore_mem>>) src(%arg4 : memref<10000x16xf32, #tpu.memory_space<hbm>>) dst(%arg8 : memref<10000x16xf32, #tpu.memory_space<vmem_shared>>)
        tpu.yield
      }) : () -> ()
    } else {
    }
    %barrier3A = arith.constant 0 : index
    tpu.barrier barrier_id(%barrier3A)
    %scan3A = arith.constant 0 : i32
    %scan3A_5 = arith.constant 0 : i32
    %scan3A_6 = arith.constant 125 : i32
    %scan3A_7 = arith.addi %scan3A_5, %scan3A_6 : i32
    %scan3A_8 = arith.constant 1 : i32
    scf.for %scan3A_16 = %scan3A_5 to %scan3A_7 step %scan3A_8  : i32 {
      %mul3A_17 = arith.constant 80 : i32
      %mul3A_18 = arith.muli %scan3A_16, %mul3A_17 : i32
      %add3A_19 = arith.addi %mul3A_2, %mul3A_18 : i32
      "tpu.region"() ({
        %run_scoped3A = tpu.sem_alloc : memref<!tpu.dma_semaphore, #tpu.memory_space<semaphore_mem>>
        %dma_start3A = tpu.memref_slice %arg3[%add3A_19] : memref<320000xi32, #tpu.memory_space<hbm>> -> memref<80xi32, #tpu.memory_space<hbm>>
        %dma_start3A_20 = tpu.memref_slice %arg3[%add3A_19] : memref<320000xi32, #tpu.memory_space<hbm>> -> memref<80xi32, #tpu.memory_space<hbm>>
        tpu.enqueue_dma source(%dma_start3A_20 : memref<80xi32, #tpu.memory_space<hbm>>) target(%arg6 : memref<80xi32, #tpu.memory_space<vmem>>) target_semaphore(%run_scoped3A : memref<!tpu.dma_semaphore, #tpu.memory_space<semaphore_mem>>)
        %dma_wait3A = tpu.memref_slice %arg3[%add3A_19] : memref<320000xi32, #tpu.memory_space<hbm>> -> memref<80xi32, #tpu.memory_space<hbm>>
        %dma_wait3A_21 = tpu.memref_slice %arg3[%add3A_19] : memref<320000xi32, #tpu.memory_space<hbm>> -> memref<80xi32, #tpu.memory_space<hbm>>
        tpu.wait_dma2 semaphore(%run_scoped3A : memref<!tpu.dma_semaphore, #tpu.memory_space<semaphore_mem>>) src(%dma_wait3A_21 : memref<80xi32, #tpu.memory_space<hbm>>) dst(%arg6 : memref<80xi32, #tpu.memory_space<vmem>>)
        tpu.yield
      }) : () -> ()
      "tpu.region"() ({
        %run_scoped3A = tpu.sem_alloc : memref<!tpu.dma_semaphore, #tpu.memory_space<semaphore_mem>>
        %dma_start3A = arith.constant 0 : i32
        %dma_start3A_20 = tpu.memref_slice %arg2[%add3A_19, %dma_start3A] : memref<320000x16xf32, #tpu.memory_space<hbm>> -> memref<80x16xf32, #tpu.memory_space<hbm>>
        %dma_start3A_21 = arith.constant 0 : i32
        %dma_start3A_22 = tpu.memref_slice %arg2[%add3A_19, %dma_start3A_21] : memref<320000x16xf32, #tpu.memory_space<hbm>> -> memref<80x16xf32, #tpu.memory_space<hbm>>
        tpu.enqueue_dma source(%dma_start3A_22 : memref<80x16xf32, #tpu.memory_space<hbm>>) target(%arg7 : memref<80x16xf32, #tpu.memory_space<vmem>>) target_semaphore(%run_scoped3A : memref<!tpu.dma_semaphore, #tpu.memory_space<semaphore_mem>>)
        %dma_wait3A = arith.constant 0 : i32
        %dma_wait3A_23 = tpu.memref_slice %arg2[%add3A_19, %dma_wait3A] : memref<320000x16xf32, #tpu.memory_space<hbm>> -> memref<80x16xf32, #tpu.memory_space<hbm>>
        %dma_wait3A_24 = arith.constant 0 : i32
        %dma_wait3A_25 = tpu.memref_slice %arg2[%add3A_19, %dma_wait3A_24] : memref<320000x16xf32, #tpu.memory_space<hbm>> -> memref<80x16xf32, #tpu.memory_space<hbm>>
        tpu.wait_dma2 semaphore(%run_scoped3A : memref<!tpu.dma_semaphore, #tpu.memory_space<semaphore_mem>>) src(%dma_wait3A_25 : memref<80x16xf32, #tpu.memory_space<hbm>>) dst(%arg7 : memref<80x16xf32, #tpu.memory_space<vmem>>)
        tpu.yield
      }) : () -> ()
      "tpu.region"() ({
        %run_scoped3A = tpu.sem_alloc : memref<!tpu.dma_semaphore, #tpu.memory_space<semaphore_mem>>
        %dma_start3A = arith.constant 0 : i32
        %dma_start3A_20 = arith.constant 0 : i32
        %dma_start3A_21 = tpu.memref_slice %arg8[%dma_start3A, %dma_start3A_20] : memref<10000x16xf32, #tpu.memory_space<vmem_shared>> -> memref<10000x16xf32, #tpu.memory_space<vmem_shared>>
        tpu.enqueue_indirect_dma source(%arg7 : memref<80x16xf32, #tpu.memory_space<vmem>>) target(%dma_start3A_21 : memref<10000x16xf32, #tpu.memory_space<vmem_shared>>) offsets(%arg6 : memref<80xi32, #tpu.memory_space<vmem>>) semaphore(%run_scoped3A : memref<!tpu.dma_semaphore, #tpu.memory_space<semaphore_mem>>) {add = true}
        %dma_wait3A = arith.constant 0 : i32
        %dma_wait3A_22 = arith.constant 0 : i32
        %dma_wait3A_23 = tpu.memref_slice %arg8[%dma_wait3A, %dma_wait3A_22] : memref<10000x16xf32, #tpu.memory_space<vmem_shared>> -> memref<10000x16xf32, #tpu.memory_space<vmem_shared>>
        tpu.wait_indirect_dma semaphore(%run_scoped3A : memref<!tpu.dma_semaphore, #tpu.memory_space<semaphore_mem>>) src(%arg7 : memref<80x16xf32, #tpu.memory_space<vmem>>) dst(%dma_wait3A_23 : memref<10000x16xf32, #tpu.memory_space<vmem_shared>>)
        tpu.yield
      }) : () -> ()
    }
    %scan3A_9 = arith.constant 125 : i32
    %barrier3A_10 = arith.constant 0 : index
    tpu.barrier barrier_id(%barrier3A_10)
    %eq3A_11 = arith.constant 0 : i32
    %eq3A_12 = arith.cmpi eq, %arg1, %eq3A_11 : i32
    %convert_element_type3A_13 = arith.extui %eq3A_12 : i1 to i32
    %cond3A_14 = arith.constant 0 : i32
    %cond3A_15 = arith.cmpi ne, %convert_element_type3A_13, %cond3A_14 : i32
    scf.if %cond3A_15 {
      "tpu.region"() ({
        %run_scoped3A = tpu.sem_alloc : memref<!tpu.dma_semaphore, #tpu.memory_space<semaphore_mem>>
        %dma_start3A = arith.constant 0 : i32
        %dma_start3A_16 = arith.constant 0 : i32
        %dma_start3A_17 = tpu.memref_slice %arg5[%arg0, %dma_start3A, %dma_start3A_16] : memref<2x10000x16xf32, #tpu.memory_space<hbm>> -> memref<1x10000x16xf32, #tpu.memory_space<hbm>>
        %dma_start3A_18 = tpu.memref_squeeze %dma_start3A_17 : memref<1x10000x16xf32, #tpu.memory_space<hbm>> -> memref<10000x16xf32, #tpu.memory_space<hbm>>
        tpu.enqueue_dma source(%arg8 : memref<10000x16xf32, #tpu.memory_space<vmem_shared>>) target(%dma_start3A_18 : memref<10000x16xf32, #tpu.memory_space<hbm>>) target_semaphore(%run_scoped3A : memref<!tpu.dma_semaphore, #tpu.memory_space<semaphore_mem>>)
        %dma_wait3A = arith.constant 0 : i32
        %dma_wait3A_19 = arith.constant 0 : i32
        %dma_wait3A_20 = tpu.memref_slice %arg5[%arg0, %dma_wait3A, %dma_wait3A_19] : memref<2x10000x16xf32, #tpu.memory_space<hbm>> -> memref<1x10000x16xf32, #tpu.memory_space<hbm>>
        %dma_wait3A_21 = tpu.memref_squeeze %dma_wait3A_20 : memref<1x10000x16xf32, #tpu.memory_space<hbm>> -> memref<10000x16xf32, #tpu.memory_space<hbm>>
        tpu.wait_dma2 semaphore(%run_scoped3A : memref<!tpu.dma_semaphore, #tpu.memory_space<semaphore_mem>>) src(%arg8 : memref<10000x16xf32, #tpu.memory_space<vmem_shared>>) dst(%dma_wait3A_21 : memref<10000x16xf32, #tpu.memory_space<hbm>>)
        tpu.yield
      }) : () -> ()
    } else {
    }
    return
  }
}

module attributes {stable_mosaic.version = 14 : i64} {
  func.func @_encoder_body(%arg0: memref<10000x1xf32, #tpu.memory_space<vmem>>, %arg1: memref<10000x4xf32, #tpu.memory_space<vmem>>, %arg2: memref<1x32xf32, #tpu.memory_space<vmem>>, %arg3: memref<1x32xf32, #tpu.memory_space<vmem>>, %arg4: memref<32x32xf32, #tpu.memory_space<vmem>>, %arg5: memref<1x32xf32, #tpu.memory_space<vmem>>, %arg6: memref<32x32xf32, #tpu.memory_space<vmem>>, %arg7: memref<1x32xf32, #tpu.memory_space<vmem>>, %arg8: memref<4x32xf32, #tpu.memory_space<vmem>>, %arg9: memref<1x32xf32, #tpu.memory_space<vmem>>, %arg10: memref<32x32xf32, #tpu.memory_space<vmem>>, %arg11: memref<1x32xf32, #tpu.memory_space<vmem>>, %arg12: memref<32x32xf32, #tpu.memory_space<vmem>>, %arg13: memref<1x32xf32, #tpu.memory_space<vmem>>, %arg14: memref<10000x64xf32, #tpu.memory_space<vmem>>) attributes {dimension_semantics = [], scalar_prefetch = 0 : i64, scratch_operands = 0 : i64, tpu.core_type = #tpu.core_type<tc>} {
    %get3A = arith.constant 0 : index
    %get3A_0 = arith.constant 0 : index
    %get3A_1 = vector.load %arg0[%get3A, %get3A_0] : memref<10000x1xf32, #tpu.memory_space<vmem>>, vector<10000x1xf32>
    %get3A_2 = arith.constant 0 : index
    %get3A_3 = arith.constant 0 : index
    %get3A_4 = vector.load %arg2[%get3A_2, %get3A_3] : memref<1x32xf32, #tpu.memory_space<vmem>>, vector<1x32xf32>
    %mul3A = vector.broadcast %get3A_1 : vector<10000x1xf32> to vector<10000x32xf32>
    %mul3A_5 = vector.broadcast %get3A_4 : vector<1x32xf32> to vector<10000x32xf32>
    %mul3A_6 = arith.mulf %mul3A, %mul3A_5 : vector<10000x32xf32>
    %get3A_7 = arith.constant 0 : index
    %get3A_8 = arith.constant 0 : index
    %get3A_9 = vector.load %arg3[%get3A_7, %get3A_8] : memref<1x32xf32, #tpu.memory_space<vmem>>, vector<1x32xf32>
    %add3A = vector.broadcast %get3A_9 : vector<1x32xf32> to vector<10000x32xf32>
    %add3A_10 = arith.addf %mul3A_6, %add3A : vector<10000x32xf32>
    %max3A = arith.constant 0.000000e+00 : f32
    %max3A_11 = vector.broadcast %max3A : f32 to vector<10000x32xf32>
    %max3A_12 = arith.maximumf %add3A_10, %max3A_11 : vector<10000x32xf32>
    %get3A_13 = arith.constant 0 : index
    %get3A_14 = arith.constant 0 : index
    %get3A_15 = vector.load %arg4[%get3A_13, %get3A_14] : memref<32x32xf32, #tpu.memory_space<vmem>>, vector<32x32xf32>
    %dot_general3A = arith.constant dense<0.000000e+00> : vector<10000x32xf32>
    %dot_general3A_16 = tpu.matmul %max3A_12, %get3A_15, %dot_general3A {dimension_numbers = #tpu.dot_dimension_numbers<[1], [0], [0], [1], [0, 0, 1, 1], [], []>, transpose_lhs_hint = false} : vector<10000x32xf32>, vector<32x32xf32>, vector<10000x32xf32> -> vector<10000x32xf32>
    %get3A_17 = arith.constant 0 : index
    %get3A_18 = arith.constant 0 : index
    %get3A_19 = vector.load %arg5[%get3A_17, %get3A_18] : memref<1x32xf32, #tpu.memory_space<vmem>>, vector<1x32xf32>
    %add3A_20 = vector.broadcast %get3A_19 : vector<1x32xf32> to vector<10000x32xf32>
    %add3A_21 = arith.addf %dot_general3A_16, %add3A_20 : vector<10000x32xf32>
    %max3A_22 = arith.constant 0.000000e+00 : f32
    %max3A_23 = vector.broadcast %max3A_22 : f32 to vector<10000x32xf32>
    %max3A_24 = arith.maximumf %add3A_21, %max3A_23 : vector<10000x32xf32>
    %get3A_25 = arith.constant 0 : index
    %get3A_26 = arith.constant 0 : index
    %get3A_27 = vector.load %arg6[%get3A_25, %get3A_26] : memref<32x32xf32, #tpu.memory_space<vmem>>, vector<32x32xf32>
    %dot_general3A_28 = arith.constant dense<0.000000e+00> : vector<10000x32xf32>
    %dot_general3A_29 = tpu.matmul %max3A_24, %get3A_27, %dot_general3A_28 {dimension_numbers = #tpu.dot_dimension_numbers<[1], [0], [0], [1], [0, 0, 1, 1], [], []>, transpose_lhs_hint = false} : vector<10000x32xf32>, vector<32x32xf32>, vector<10000x32xf32> -> vector<10000x32xf32>
    %get3A_30 = arith.constant 0 : index
    %get3A_31 = arith.constant 0 : index
    %get3A_32 = vector.load %arg7[%get3A_30, %get3A_31] : memref<1x32xf32, #tpu.memory_space<vmem>>, vector<1x32xf32>
    %add3A_33 = vector.broadcast %get3A_32 : vector<1x32xf32> to vector<10000x32xf32>
    %add3A_34 = arith.addf %dot_general3A_29, %add3A_33 : vector<10000x32xf32>
    %get3A_35 = arith.constant 0 : index
    %get3A_36 = arith.constant 0 : index
    %get3A_37 = vector.load %arg1[%get3A_35, %get3A_36] : memref<10000x4xf32, #tpu.memory_space<vmem>>, vector<10000x4xf32>
    %get3A_38 = arith.constant 0 : index
    %get3A_39 = arith.constant 0 : index
    %get3A_40 = vector.load %arg8[%get3A_38, %get3A_39] : memref<4x32xf32, #tpu.memory_space<vmem>>, vector<4x32xf32>
    %dot_general3A_41 = arith.constant dense<0.000000e+00> : vector<10000x32xf32>
    %dot_general3A_42 = tpu.matmul %get3A_37, %get3A_40, %dot_general3A_41 {dimension_numbers = #tpu.dot_dimension_numbers<[1], [0], [0], [1], [0, 0, 1, 1], [], []>, transpose_lhs_hint = false} : vector<10000x4xf32>, vector<4x32xf32>, vector<10000x32xf32> -> vector<10000x32xf32>
    %get3A_43 = arith.constant 0 : index
    %get3A_44 = arith.constant 0 : index
    %get3A_45 = vector.load %arg9[%get3A_43, %get3A_44] : memref<1x32xf32, #tpu.memory_space<vmem>>, vector<1x32xf32>
    %add3A_46 = vector.broadcast %get3A_45 : vector<1x32xf32> to vector<10000x32xf32>
    %add3A_47 = arith.addf %dot_general3A_42, %add3A_46 : vector<10000x32xf32>
    %max3A_48 = arith.constant 0.000000e+00 : f32
    %max3A_49 = vector.broadcast %max3A_48 : f32 to vector<10000x32xf32>
    %max3A_50 = arith.maximumf %add3A_47, %max3A_49 : vector<10000x32xf32>
    %get3A_51 = arith.constant 0 : index
    %get3A_52 = arith.constant 0 : index
    %get3A_53 = vector.load %arg10[%get3A_51, %get3A_52] : memref<32x32xf32, #tpu.memory_space<vmem>>, vector<32x32xf32>
    %dot_general3A_54 = arith.constant dense<0.000000e+00> : vector<10000x32xf32>
    %dot_general3A_55 = tpu.matmul %max3A_50, %get3A_53, %dot_general3A_54 {dimension_numbers = #tpu.dot_dimension_numbers<[1], [0], [0], [1], [0, 0, 1, 1], [], []>, transpose_lhs_hint = false} : vector<10000x32xf32>, vector<32x32xf32>, vector<10000x32xf32> -> vector<10000x32xf32>
    %get3A_56 = arith.constant 0 : index
    %get3A_57 = arith.constant 0 : index
    %get3A_58 = vector.load %arg11[%get3A_56, %get3A_57] : memref<1x32xf32, #tpu.memory_space<vmem>>, vector<1x32xf32>
    %add3A_59 = vector.broadcast %get3A_58 : vector<1x32xf32> to vector<10000x32xf32>
    %add3A_60 = arith.addf %dot_general3A_55, %add3A_59 : vector<10000x32xf32>
    %max3A_61 = arith.constant 0.000000e+00 : f32
    %max3A_62 = vector.broadcast %max3A_61 : f32 to vector<10000x32xf32>
    %max3A_63 = arith.maximumf %add3A_60, %max3A_62 : vector<10000x32xf32>
    %get3A_64 = arith.constant 0 : index
    %get3A_65 = arith.constant 0 : index
    %get3A_66 = vector.load %arg12[%get3A_64, %get3A_65] : memref<32x32xf32, #tpu.memory_space<vmem>>, vector<32x32xf32>
    %dot_general3A_67 = arith.constant dense<0.000000e+00> : vector<10000x32xf32>
    %dot_general3A_68 = tpu.matmul %max3A_63, %get3A_66, %dot_general3A_67 {dimension_numbers = #tpu.dot_dimension_numbers<[1], [0], [0], [1], [0, 0, 1, 1], [], []>, transpose_lhs_hint = false} : vector<10000x32xf32>, vector<32x32xf32>, vector<10000x32xf32> -> vector<10000x32xf32>
    %get3A_69 = arith.constant 0 : index
    %get3A_70 = arith.constant 0 : index
    %get3A_71 = vector.load %arg13[%get3A_69, %get3A_70] : memref<1x32xf32, #tpu.memory_space<vmem>>, vector<1x32xf32>
    %add3A_72 = vector.broadcast %get3A_71 : vector<1x32xf32> to vector<10000x32xf32>
    %add3A_73 = arith.addf %dot_general3A_68, %add3A_72 : vector<10000x32xf32>
    %concatenate3A = tpu.concatenate %add3A_34, %add3A_73 in 1 : vector<10000x32xf32>, vector<10000x32xf32> -> vector<10000x64xf32>
    %swap3A = arith.constant 0 : index
    %swap3A_74 = arith.constant 0 : index
    %swap3A_75 = vector.load %arg14[%swap3A, %swap3A_74] : memref<10000x64xf32, #tpu.memory_space<vmem>>, vector<10000x64xf32>
    tpu.vector_store %arg14[%swap3A, %swap3A_74], %concatenate3A {strides = array<i32>} : memref<10000x64xf32, #tpu.memory_space<vmem>>, vector<10000x64xf32>,
    return
  }
}

module attributes {stable_mosaic.version = 14 : i64} {
  func.func @_edge_mlp_body(%arg0: i32, %arg1: memref<1280x64xf32, #tpu.memory_space<vmem>>, %arg2: memref<1280x64xf32, #tpu.memory_space<vmem>>, %arg3: memref<64x1024xbf16, #tpu.memory_space<vmem>>, %arg4: memref<64x1024xbf16, #tpu.memory_space<vmem>>, %arg5: memref<1024x1024xbf16, #tpu.memory_space<vmem>>, %arg6: memref<1024x16xf32, #tpu.memory_space<vmem>>, %arg7: memref<1x16xf32, #tpu.memory_space<vmem>>, %arg8: memref<1x1024xf32, #tpu.memory_space<vmem>>, %arg9: memref<1x1024xf32, #tpu.memory_space<vmem>>, %arg10: memref<1x1024xf32, #tpu.memory_space<vmem>>, %arg11: memref<1x1024xf32, #tpu.memory_space<vmem>>, %arg12: memref<1024x16xbf16, #tpu.memory_space<vmem>>, %arg13: memref<16x1024xbf16, #tpu.memory_space<vmem>>, %arg14: memref<1280x16xf32, #tpu.memory_space<vmem>>) attributes {dimension_semantics = [#tpu.dimension_semantics<arbitrary>], iteration_bounds = array<i64: 250>, scalar_prefetch = 0 : i64, scratch_operands = 0 : i64, tpu.core_type = #tpu.core_type<tc>, window_params = [{transform_indices = @transform_0, window_bounds = array<i64: 1280, 64>}, {transform_indices = @transform_1, window_bounds = array<i64: 1280, 64>}, {pipeline_mode = #tpu.pipeline_mode<synchronous>, transform_indices = @transform_2, window_bounds = array<i64: 64, 1024>}, {pipeline_mode = #tpu.pipeline_mode<synchronous>, transform_indices = @transform_3, window_bounds = array<i64: 64, 1024>}, {pipeline_mode = #tpu.pipeline_mode<synchronous>, transform_indices = @transform_4, window_bounds = array<i64: 1024, 1024>}, {pipeline_mode = #tpu.pipeline_mode<synchronous>, transform_indices = @transform_5, window_bounds = array<i64: 1024, 16>}, {pipeline_mode = #tpu.pipeline_mode<synchronous>, transform_indices = @transform_6, window_bounds = array<i64: 1, 16>}, {pipeline_mode = #tpu.pipeline_mode<synchronous>, transform_indices = @transform_7, window_bounds = array<i64: 1, 1024>}, {pipeline_mode = #tpu.pipeline_mode<synchronous>, transform_indices = @transform_8, window_bounds = array<i64: 1, 1024>}, {pipeline_mode = #tpu.pipeline_mode<synchronous>, transform_indices = @transform_9, window_bounds = array<i64: 1, 1024>}, {pipeline_mode = #tpu.pipeline_mode<synchronous>, transform_indices = @transform_10, window_bounds = array<i64: 1, 1024>}, {pipeline_mode = #tpu.pipeline_mode<synchronous>, transform_indices = @transform_11, window_bounds = array<i64: 1024, 16>}, {pipeline_mode = #tpu.pipeline_mode<synchronous>, transform_indices = @transform_12, window_bounds = array<i64: 16, 1024>}, {transform_indices = @transform_13, window_bounds = array<i64: 1280, 16>}]} {
    %get3A = arith.constant 0 : index
    %get3A_0 = arith.constant 0 : index
    %get3A_1 = vector.load %arg1[%get3A, %get3A_0] : memref<1280x64xf32, #tpu.memory_space<vmem>>, vector<1280x64xf32>
    %convert_element_type3A = arith.truncf %get3A_1 : vector<1280x64xf32> to vector<1280x64xbf16>
    %get3A_2 = arith.constant 0 : index
    %get3A_3 = arith.constant 0 : index
    %get3A_4 = vector.load %arg3[%get3A_2, %get3A_3] : memref<64x1024xbf16, #tpu.memory_space<vmem>>, vector<64x1024xbf16>
    %dot_general3A = arith.constant dense<0.000000e+00> : vector<1280x1024xf32>
    %dot_general3A_5 = tpu.matmul %convert_element_type3A, %get3A_4, %dot_general3A {dimension_numbers = #tpu.dot_dimension_numbers<[1], [0], [0], [1], [0, 0, 1, 1], [], []>, transpose_lhs_hint = false} : vector<1280x64xbf16>, vector<64x1024xbf16>, vector<1280x1024xf32> -> vector<1280x1024xf32>
    %get3A_6 = arith.constant 0 : index
    %get3A_7 = arith.constant 0 : index
    %get3A_8 = vector.load %arg2[%get3A_6, %get3A_7] : memref<1280x64xf32, #tpu.memory_space<vmem>>, vector<1280x64xf32>
    %convert_element_type3A_9 = arith.truncf %get3A_8 : vector<1280x64xf32> to vector<1280x64xbf16>
    %get3A_10 = arith.constant 0 : index
    %get3A_11 = arith.constant 0 : index
    %get3A_12 = vector.load %arg4[%get3A_10, %get3A_11] : memref<64x1024xbf16, #tpu.memory_space<vmem>>, vector<64x1024xbf16>
    %dot_general3A_13 = arith.constant dense<0.000000e+00> : vector<1280x1024xf32>
    %dot_general3A_14 = tpu.matmul %convert_element_type3A_9, %get3A_12, %dot_general3A_13 {dimension_numbers = #tpu.dot_dimension_numbers<[1], [0], [0], [1], [0, 0, 1, 1], [], []>, transpose_lhs_hint = false} : vector<1280x64xbf16>, vector<64x1024xbf16>, vector<1280x1024xf32> -> vector<1280x1024xf32>
    %add3A = arith.addf %dot_general3A_5, %dot_general3A_14 : vector<1280x1024xf32>
    %get3A_15 = arith.constant 0 : index
    %get3A_16 = arith.constant 0 : index
    %get3A_17 = vector.load %arg12[%get3A_15, %get3A_16] : memref<1024x16xbf16, #tpu.memory_space<vmem>>, vector<1024x16xbf16>
    %get3A_18 = arith.constant 0 : index
    %get3A_19 = arith.constant 0 : index
    %get3A_20 = vector.load %arg13[%get3A_18, %get3A_19] : memref<16x1024xbf16, #tpu.memory_space<vmem>>, vector<16x1024xbf16>
    %get3A_21 = arith.constant 0 : index
    %get3A_22 = arith.constant 0 : index
    %get3A_23 = vector.load %arg8[%get3A_21, %get3A_22] : memref<1x1024xf32, #tpu.memory_space<vmem>>, vector<1x1024xf32>
    %get3A_24 = arith.constant 0 : index
    %get3A_25 = arith.constant 0 : index
    %get3A_26 = vector.load %arg9[%get3A_24, %get3A_25] : memref<1x1024xf32, #tpu.memory_space<vmem>>, vector<1x1024xf32>
    %convert_element_type3A_27 = arith.truncf %add3A : vector<1280x1024xf32> to vector<1280x1024xbf16>
    %dot_general3A_28 = arith.constant dense<0.000000e+00> : vector<1280x16xf32>
    %dot_general3A_29 = tpu.matmul %convert_element_type3A_27, %get3A_17, %dot_general3A_28 {dimension_numbers = #tpu.dot_dimension_numbers<[1], [0], [0], [1], [0, 0, 1, 1], [], []>, transpose_lhs_hint = false} : vector<1280x1024xbf16>, vector<1024x16xbf16>, vector<1280x16xf32> -> vector<1280x16xf32>
    %mul3A = arith.mulf %convert_element_type3A_27, %convert_element_type3A_27 : vector<1280x1024xbf16>
    %dot_general3A_30 = arith.constant dense<0.000000e+00> : vector<1280x16xf32>
    %dot_general3A_31 = tpu.matmul %mul3A, %get3A_17, %dot_general3A_30 {dimension_numbers = #tpu.dot_dimension_numbers<[1], [0], [0], [1], [0, 0, 1, 1], [], []>, transpose_lhs_hint = false} : vector<1280x1024xbf16>, vector<1024x16xbf16>, vector<1280x16xf32> -> vector<1280x16xf32>
    %mul3A_32 = arith.mulf %dot_general3A_29, %dot_general3A_29 : vector<1280x16xf32>
    %sub3A = arith.subf %dot_general3A_31, %mul3A_32 : vector<1280x16xf32>
    %add3A_33 = arith.constant 9.99999974E-6 : f32
    %add3A_34 = vector.broadcast %add3A_33 : f32 to vector<1280x16xf32>
    %add3A_35 = arith.addf %sub3A, %add3A_34 : vector<1280x16xf32>
    %rsqrt3A = math.rsqrt %add3A_35 : vector<1280x16xf32>
    %convert_element_type3A_36 = arith.truncf %dot_general3A_29 : vector<1280x16xf32> to vector<1280x16xbf16>
    %dot_general3A_37 = arith.constant dense<0.000000e+00> : vector<1280x1024xf32>
    %dot_general3A_38 = tpu.matmul %convert_element_type3A_36, %get3A_20, %dot_general3A_37 {dimension_numbers = #tpu.dot_dimension_numbers<[1], [0], [0], [1], [0, 0, 1, 1], [], []>, transpose_lhs_hint = false} : vector<1280x16xbf16>, vector<16x1024xbf16>, vector<1280x1024xf32> -> vector<1280x1024xf32>
    %convert_element_type3A_39 = arith.truncf %rsqrt3A : vector<1280x16xf32> to vector<1280x16xbf16>
    %dot_general3A_40 = arith.constant dense<0.000000e+00> : vector<1280x1024xf32>
    %dot_general3A_41 = tpu.matmul %convert_element_type3A_39, %get3A_20, %dot_general3A_40 {dimension_numbers = #tpu.dot_dimension_numbers<[1], [0], [0], [1], [0, 0, 1, 1], [], []>, transpose_lhs_hint = false} : vector<1280x16xbf16>, vector<16x1024xbf16>, vector<1280x1024xf32> -> vector<1280x1024xf32>
    %sub3A_42 = arith.subf %add3A, %dot_general3A_38 : vector<1280x1024xf32>
    %mul3A_43 = arith.mulf %sub3A_42, %dot_general3A_41 : vector<1280x1024xf32>
    %mul3A_44 = vector.broadcast %get3A_23 : vector<1x1024xf32> to vector<1280x1024xf32>
    %mul3A_45 = arith.mulf %mul3A_43, %mul3A_44 : vector<1280x1024xf32>
    %add3A_46 = vector.broadcast %get3A_26 : vector<1x1024xf32> to vector<1280x1024xf32>
    %add3A_47 = arith.addf %mul3A_45, %add3A_46 : vector<1280x1024xf32>
    %max3A = arith.constant 0.000000e+00 : f32
    %max3A_48 = vector.broadcast %max3A : f32 to vector<1280x1024xf32>
    %max3A_49 = arith.maximumf %add3A_47, %max3A_48 : vector<1280x1024xf32>
    %convert_element_type3A_50 = arith.truncf %max3A_49 : vector<1280x1024xf32> to vector<1280x1024xbf16>
    %get3A_51 = arith.constant 0 : index
    %get3A_52 = arith.constant 0 : index
    %get3A_53 = vector.load %arg5[%get3A_51, %get3A_52] : memref<1024x1024xbf16, #tpu.memory_space<vmem>>, vector<1024x1024xbf16>
    %dot_general3A_54 = arith.constant dense<0.000000e+00> : vector<1280x1024xf32>
    %dot_general3A_55 = tpu.matmul %convert_element_type3A_50, %get3A_53, %dot_general3A_54 {dimension_numbers = #tpu.dot_dimension_numbers<[1], [0], [0], [1], [0, 0, 1, 1], [], []>, transpose_lhs_hint = false} : vector<1280x1024xbf16>, vector<1024x1024xbf16>, vector<1280x1024xf32> -> vector<1280x1024xf32>
    %get3A_56 = arith.constant 0 : index
    %get3A_57 = arith.constant 0 : index
    %get3A_58 = vector.load %arg12[%get3A_56, %get3A_57] : memref<1024x16xbf16, #tpu.memory_space<vmem>>, vector<1024x16xbf16>
    %get3A_59 = arith.constant 0 : index
    %get3A_60 = arith.constant 0 : index
    %get3A_61 = vector.load %arg13[%get3A_59, %get3A_60] : memref<16x1024xbf16, #tpu.memory_space<vmem>>, vector<16x1024xbf16>
    %get3A_62 = arith.constant 0 : index
    %get3A_63 = arith.constant 0 : index
    %get3A_64 = vector.load %arg10[%get3A_62, %get3A_63] : memref<1x1024xf32, #tpu.memory_space<vmem>>, vector<1x1024xf32>
    %get3A_65 = arith.constant 0 : index
    %get3A_66 = arith.constant 0 : index
    %get3A_67 = vector.load %arg11[%get3A_65, %get3A_66] : memref<1x1024xf32, #tpu.memory_space<vmem>>, vector<1x1024xf32>
    %convert_element_type3A_68 = arith.truncf %dot_general3A_55 : vector<1280x1024xf32> to vector<1280x1024xbf16>
    %dot_general3A_69 = arith.constant dense<0.000000e+00> : vector<1280x16xf32>
    %dot_general3A_70 = tpu.matmul %convert_element_type3A_68, %get3A_58, %dot_general3A_69 {dimension_numbers = #tpu.dot_dimension_numbers<[1], [0], [0], [1], [0, 0, 1, 1], [], []>, transpose_lhs_hint = false} : vector<1280x1024xbf16>, vector<1024x16xbf16>, vector<1280x16xf32> -> vector<1280x16xf32>
    %mul3A_71 = arith.mulf %convert_element_type3A_68, %convert_element_type3A_68 : vector<1280x1024xbf16>
    %dot_general3A_72 = arith.constant dense<0.000000e+00> : vector<1280x16xf32>
    %dot_general3A_73 = tpu.matmul %mul3A_71, %get3A_58, %dot_general3A_72 {dimension_numbers = #tpu.dot_dimension_numbers<[1], [0], [0], [1], [0, 0, 1, 1], [], []>, transpose_lhs_hint = false} : vector<1280x1024xbf16>, vector<1024x16xbf16>, vector<1280x16xf32> -> vector<1280x16xf32>
    %mul3A_74 = arith.mulf %dot_general3A_70, %dot_general3A_70 : vector<1280x16xf32>
    %sub3A_75 = arith.subf %dot_general3A_73, %mul3A_74 : vector<1280x16xf32>
    %add3A_76 = arith.constant 9.99999974E-6 : f32
    %add3A_77 = vector.broadcast %add3A_76 : f32 to vector<1280x16xf32>
    %add3A_78 = arith.addf %sub3A_75, %add3A_77 : vector<1280x16xf32>
    %rsqrt3A_79 = math.rsqrt %add3A_78 : vector<1280x16xf32>
    %convert_element_type3A_80 = arith.truncf %dot_general3A_70 : vector<1280x16xf32> to vector<1280x16xbf16>
    %dot_general3A_81 = arith.constant dense<0.000000e+00> : vector<1280x1024xf32>
    %dot_general3A_82 = tpu.matmul %convert_element_type3A_80, %get3A_61, %dot_general3A_81 {dimension_numbers = #tpu.dot_dimension_numbers<[1], [0], [0], [1], [0, 0, 1, 1], [], []>, transpose_lhs_hint = false} : vector<1280x16xbf16>, vector<16x1024xbf16>, vector<1280x1024xf32> -> vector<1280x1024xf32>
    %convert_element_type3A_83 = arith.truncf %rsqrt3A_79 : vector<1280x16xf32> to vector<1280x16xbf16>
    %dot_general3A_84 = arith.constant dense<0.000000e+00> : vector<1280x1024xf32>
    %dot_general3A_85 = tpu.matmul %convert_element_type3A_83, %get3A_61, %dot_general3A_84 {dimension_numbers = #tpu.dot_dimension_numbers<[1], [0], [0], [1], [0, 0, 1, 1], [], []>, transpose_lhs_hint = false} : vector<1280x16xbf16>, vector<16x1024xbf16>, vector<1280x1024xf32> -> vector<1280x1024xf32>
    %sub3A_86 = arith.subf %dot_general3A_55, %dot_general3A_82 : vector<1280x1024xf32>
    %mul3A_87 = arith.mulf %sub3A_86, %dot_general3A_85 : vector<1280x1024xf32>
    %mul3A_88 = vector.broadcast %get3A_64 : vector<1x1024xf32> to vector<1280x1024xf32>
    %mul3A_89 = arith.mulf %mul3A_87, %mul3A_88 : vector<1280x1024xf32>
    %add3A_90 = vector.broadcast %get3A_67 : vector<1x1024xf32> to vector<1280x1024xf32>
    %add3A_91 = arith.addf %mul3A_89, %add3A_90 : vector<1280x1024xf32>
    %max3A_92 = arith.constant 0.000000e+00 : f32
    %max3A_93 = vector.broadcast %max3A_92 : f32 to vector<1280x1024xf32>
    %max3A_94 = arith.maximumf %add3A_91, %max3A_93 : vector<1280x1024xf32>
    %get3A_95 = arith.constant 0 : index
    %get3A_96 = arith.constant 0 : index
    %get3A_97 = vector.load %arg6[%get3A_95, %get3A_96] : memref<1024x16xf32, #tpu.memory_space<vmem>>, vector<1024x16xf32>
    %dot_general3A_98 = arith.constant dense<0.000000e+00> : vector<1280x16xf32>
    %dot_general3A_99 = tpu.matmul %max3A_94, %get3A_97, %dot_general3A_98 {dimension_numbers = #tpu.dot_dimension_numbers<[1], [0], [0], [1], [0, 0, 1, 1], [], []>, transpose_lhs_hint = false} : vector<1280x1024xf32>, vector<1024x16xf32>, vector<1280x16xf32> -> vector<1280x16xf32>
    %get3A_100 = arith.constant 0 : index
    %get3A_101 = arith.constant 0 : index
    %get3A_102 = vector.load %arg7[%get3A_100, %get3A_101] : memref<1x16xf32, #tpu.memory_space<vmem>>, vector<1x16xf32>
    %add3A_103 = vector.broadcast %get3A_102 : vector<1x16xf32> to vector<1280x16xf32>
    %add3A_104 = arith.addf %dot_general3A_99, %add3A_103 : vector<1280x16xf32>
    %swap3A = arith.constant 0 : index
    %swap3A_105 = arith.constant 0 : index
    %swap3A_106 = vector.load %arg14[%swap3A, %swap3A_105] : memref<1280x16xf32, #tpu.memory_space<vmem>>, vector<1280x16xf32>
    tpu.vector_store %arg14[%swap3A, %swap3A_105], %add3A_104 {strides = array<i32>} : memref<1280x16xf32, #tpu.memory_space<vmem>>, vector<1280x16xf32>,
    return
  }
  func.func @transform_0(%arg0: i32) -> (i32, i32) {
    %c0_i32 = arith.constant 0 : i32
    %c0_i32_0 = arith.constant 0 : i32
    return %arg0, %c0_i32 : i32, i32
  }
  func.func @transform_1(%arg0: i32) -> (i32, i32) {
    %c0_i32 = arith.constant 0 : i32
    %c0_i32_0 = arith.constant 0 : i32
    return %arg0, %c0_i32 : i32, i32
  }
  func.func @transform_2(%arg0: i32) -> (i32, i32) {
    %c0_i32 = arith.constant 0 : i32
    %c0_i32_0 = arith.constant 0 : i32
    %c0_i32_1 = arith.constant 0 : i32
    return %c0_i32, %c0_i32_0 : i32, i32
  }
  func.func @transform_3(%arg0: i32) -> (i32, i32) {
    %c0_i32 = arith.constant 0 : i32
    %c0_i32_0 = arith.constant 0 : i32
    %c0_i32_1 = arith.constant 0 : i32
    return %c0_i32, %c0_i32_0 : i32, i32
  }
  func.func @transform_4(%arg0: i32) -> (i32, i32) {
    %c0_i32 = arith.constant 0 : i32
    %c0_i32_0 = arith.constant 0 : i32
    %c0_i32_1 = arith.constant 0 : i32
    return %c0_i32, %c0_i32_0 : i32, i32
  }
  func.func @transform_5(%arg0: i32) -> (i32, i32) {
    %c0_i32 = arith.constant 0 : i32
    %c0_i32_0 = arith.constant 0 : i32
    %c0_i32_1 = arith.constant 0 : i32
    return %c0_i32, %c0_i32_0 : i32, i32
  }
  func.func @transform_6(%arg0: i32) -> (i32, i32) {
    %c0_i32 = arith.constant 0 : i32
    %c0_i32_0 = arith.constant 0 : i32
    %c0_i32_1 = arith.constant 0 : i32
    return %c0_i32, %c0_i32_0 : i32, i32
  }
  func.func @transform_7(%arg0: i32) -> (i32, i32) {
    %c0_i32 = arith.constant 0 : i32
    %c0_i32_0 = arith.constant 0 : i32
    %c0_i32_1 = arith.constant 0 : i32
    return %c0_i32, %c0_i32_0 : i32, i32
  }
  func.func @transform_8(%arg0: i32) -> (i32, i32) {
    %c0_i32 = arith.constant 0 : i32
    %c0_i32_0 = arith.constant 0 : i32
    %c0_i32_1 = arith.constant 0 : i32
    return %c0_i32, %c0_i32_0 : i32, i32
  }
  func.func @transform_9(%arg0: i32) -> (i32, i32) {
    %c0_i32 = arith.constant 0 : i32
    %c0_i32_0 = arith.constant 0 : i32
    %c0_i32_1 = arith.constant 0 : i32
    return %c0_i32, %c0_i32_0 : i32, i32
  }
  func.func @transform_10(%arg0: i32) -> (i32, i32) {
    %c0_i32 = arith.constant 0 : i32
    %c0_i32_0 = arith.constant 0 : i32
    %c0_i32_1 = arith.constant 0 : i32
    return %c0_i32, %c0_i32_0 : i32, i32
  }
  func.func @transform_11(%arg0: i32) -> (i32, i32) {
    %c0_i32 = arith.constant 0 : i32
    %c0_i32_0 = arith.constant 0 : i32
    %c0_i32_1 = arith.constant 0 : i32
    return %c0_i32, %c0_i32_0 : i32, i32
  }
  func.func @transform_12(%arg0: i32) -> (i32, i32) {
    %c0_i32 = arith.constant 0 : i32
    %c0_i32_0 = arith.constant 0 : i32
    %c0_i32_1 = arith.constant 0 : i32
    return %c0_i32, %c0_i32_0 : i32, i32
  }
  func.func @transform_13(%arg0: i32) -> (i32, i32) {
    %c0_i32 = arith.constant 0 : i32
    %c0_i32_0 = arith.constant 0 : i32
    return %arg0, %c0_i32 : i32, i32
  }
}

module attributes {stable_mosaic.version = 14 : i64} {
  func.func @_pool_body(%arg0: memref<2x10000x16xf32, #tpu.memory_space<vmem>>, %arg1: memref<10000x1xi32, #tpu.memory_space<vmem>>, %arg2: memref<16x4xf32, #tpu.memory_space<vmem>>) attributes {dimension_semantics = [], scalar_prefetch = 0 : i64, scratch_operands = 0 : i64, tpu.core_type = #tpu.core_type<tc>} {
    %get3A = arith.constant 0 : index
    %get3A_0 = arith.constant 0 : index
    %get3A_1 = arith.constant 0 : index
    %get3A_2 = vector.load %arg0[%get3A, %get3A_0, %get3A_1] : memref<2x10000x16xf32, #tpu.memory_space<vmem>>, vector<1x10000x16xf32>
    %get3A_3 = vector.shape_cast %get3A_2 : vector<1x10000x16xf32> to vector<10000x16xf32>
    %get3A_4 = arith.constant 1 : index
    %get3A_5 = arith.constant 0 : index
    %get3A_6 = arith.constant 0 : index
    %get3A_7 = vector.load %arg0[%get3A_4, %get3A_5, %get3A_6] : memref<2x10000x16xf32, #tpu.memory_space<vmem>>, vector<1x10000x16xf32>
    %get3A_8 = vector.shape_cast %get3A_7 : vector<1x10000x16xf32> to vector<10000x16xf32>
    %add3A = arith.addf %get3A_3, %get3A_8 : vector<10000x16xf32>
    %slice3A = vector.extract_strided_slice %add3A {offsets = [0, 0], sizes = [10000, 4], strides = [1, 1]} : vector<10000x16xf32> to vector<10000x4xf32>
    %get3A_9 = arith.constant 0 : index
    %get3A_10 = arith.constant 0 : index
    %get3A_11 = vector.load %arg1[%get3A_9, %get3A_10] : memref<10000x1xi32, #tpu.memory_space<vmem>>, vector<10000x1xi32>
    %eq3A = arith.constant 0 : i32
    %eq3A_12 = vector.broadcast %eq3A : i32 to vector<10000x1xi32>
    %eq3A_13 = arith.cmpi eq, %get3A_11, %eq3A_12 : vector<10000x1xi32>
    %jit3A = arith.constant 0xFF800000 : f32
    %broadcast_in_dim3A = vector.shape_cast %eq3A_13 : vector<10000x1xi1> to vector<10000x1xi1>
    %broadcast_in_dim3A_14 = vector.broadcast %broadcast_in_dim3A : vector<10000x1xi1> to vector<10000x4xi1>
    %broadcast_in_dim3A_15 = vector.broadcast %jit3A : f32 to vector<10000x4xf32>
    %select_n3A = arith.select %broadcast_in_dim3A_14, %slice3A, %broadcast_in_dim3A_15 : vector<10000x4xi1>, vector<10000x4xf32>
    %reduce_max3A = arith.constant dense<0xFF800000> : vector<4xf32>
    %reduce_max3A_16 = vector.multi_reduction <maximumf>, %select_n3A, %reduce_max3A [0] : vector<10000x4xf32> to vector<4xf32>
    %broadcast_in_dim3A_17 = vector.shape_cast %reduce_max3A_16 : vector<4xf32> to vector<1x4xf32>
    %eq3A_18 = arith.constant 1 : i32
    %eq3A_19 = vector.broadcast %eq3A_18 : i32 to vector<10000x1xi32>
    %eq3A_20 = arith.cmpi eq, %get3A_11, %eq3A_19 : vector<10000x1xi32>
    %jit3A_21 = arith.constant 0xFF800000 : f32
    %broadcast_in_dim3A_22 = vector.shape_cast %eq3A_20 : vector<10000x1xi1> to vector<10000x1xi1>
    %broadcast_in_dim3A_23 = vector.broadcast %broadcast_in_dim3A_22 : vector<10000x1xi1> to vector<10000x4xi1>
    %broadcast_in_dim3A_24 = vector.broadcast %jit3A_21 : f32 to vector<10000x4xf32>
    %select_n3A_25 = arith.select %broadcast_in_dim3A_23, %slice3A, %broadcast_in_dim3A_24 : vector<10000x4xi1>, vector<10000x4xf32>
    %reduce_max3A_26 = arith.constant dense<0xFF800000> : vector<4xf32>
    %reduce_max3A_27 = vector.multi_reduction <maximumf>, %select_n3A_25, %reduce_max3A_26 [0] : vector<10000x4xf32> to vector<4xf32>
    %broadcast_in_dim3A_28 = vector.shape_cast %reduce_max3A_27 : vector<4xf32> to vector<1x4xf32>
    %eq3A_29 = arith.constant 2 : i32
    %eq3A_30 = vector.broadcast %eq3A_29 : i32 to vector<10000x1xi32>
    %eq3A_31 = arith.cmpi eq, %get3A_11, %eq3A_30 : vector<10000x1xi32>
    %jit3A_32 = arith.constant 0xFF800000 : f32
    %broadcast_in_dim3A_33 = vector.shape_cast %eq3A_31 : vector<10000x1xi1> to vector<10000x1xi1>
    %broadcast_in_dim3A_34 = vector.broadcast %broadcast_in_dim3A_33 : vector<10000x1xi1> to vector<10000x4xi1>
    %broadcast_in_dim3A_35 = vector.broadcast %jit3A_32 : f32 to vector<10000x4xf32>
    %select_n3A_36 = arith.select %broadcast_in_dim3A_34, %slice3A, %broadcast_in_dim3A_35 : vector<10000x4xi1>, vector<10000x4xf32>
    %reduce_max3A_37 = arith.constant dense<0xFF800000> : vector<4xf32>
    %reduce_max3A_38 = vector.multi_reduction <maximumf>, %select_n3A_36, %reduce_max3A_37 [0] : vector<10000x4xf32> to vector<4xf32>
    %broadcast_in_dim3A_39 = vector.shape_cast %reduce_max3A_38 : vector<4xf32> to vector<1x4xf32>
    %eq3A_40 = arith.constant 3 : i32
    %eq3A_41 = vector.broadcast %eq3A_40 : i32 to vector<10000x1xi32>
    %eq3A_42 = arith.cmpi eq, %get3A_11, %eq3A_41 : vector<10000x1xi32>
    %jit3A_43 = arith.constant 0xFF800000 : f32
    %broadcast_in_dim3A_44 = vector.shape_cast %eq3A_42 : vector<10000x1xi1> to vector<10000x1xi1>
    %broadcast_in_dim3A_45 = vector.broadcast %broadcast_in_dim3A_44 : vector<10000x1xi1> to vector<10000x4xi1>
    %broadcast_in_dim3A_46 = vector.broadcast %jit3A_43 : f32 to vector<10000x4xf32>
    %select_n3A_47 = arith.select %broadcast_in_dim3A_45, %slice3A, %broadcast_in_dim3A_46 : vector<10000x4xi1>, vector<10000x4xf32>
    %reduce_max3A_48 = arith.constant dense<0xFF800000> : vector<4xf32>
    %reduce_max3A_49 = vector.multi_reduction <maximumf>, %select_n3A_47, %reduce_max3A_48 [0] : vector<10000x4xf32> to vector<4xf32>
    %broadcast_in_dim3A_50 = vector.shape_cast %reduce_max3A_49 : vector<4xf32> to vector<1x4xf32>
    %eq3A_51 = arith.constant 4 : i32
    %eq3A_52 = vector.broadcast %eq3A_51 : i32 to vector<10000x1xi32>
    %eq3A_53 = arith.cmpi eq, %get3A_11, %eq3A_52 : vector<10000x1xi32>
    %jit3A_54 = arith.constant 0xFF800000 : f32
    %broadcast_in_dim3A_55 = vector.shape_cast %eq3A_53 : vector<10000x1xi1> to vector<10000x1xi1>
    %broadcast_in_dim3A_56 = vector.broadcast %broadcast_in_dim3A_55 : vector<10000x1xi1> to vector<10000x4xi1>
    %broadcast_in_dim3A_57 = vector.broadcast %jit3A_54 : f32 to vector<10000x4xf32>
    %select_n3A_58 = arith.select %broadcast_in_dim3A_56, %slice3A, %broadcast_in_dim3A_57 : vector<10000x4xi1>, vector<10000x4xf32>
    %reduce_max3A_59 = arith.constant dense<0xFF800000> : vector<4xf32>
    %reduce_max3A_60 = vector.multi_reduction <maximumf>, %select_n3A_58, %reduce_max3A_59 [0] : vector<10000x4xf32> to vector<4xf32>
    %broadcast_in_dim3A_61 = vector.shape_cast %reduce_max3A_60 : vector<4xf32> to vector<1x4xf32>
    %eq3A_62 = arith.constant 5 : i32
    %eq3A_63 = vector.broadcast %eq3A_62 : i32 to vector<10000x1xi32>
    %eq3A_64 = arith.cmpi eq, %get3A_11, %eq3A_63 : vector<10000x1xi32>
    %jit3A_65 = arith.constant 0xFF800000 : f32
    %broadcast_in_dim3A_66 = vector.shape_cast %eq3A_64 : vector<10000x1xi1> to vector<10000x1xi1>
    %broadcast_in_dim3A_67 = vector.broadcast %broadcast_in_dim3A_66 : vector<10000x1xi1> to vector<10000x4xi1>
    %broadcast_in_dim3A_68 = vector.broadcast %jit3A_65 : f32 to vector<10000x4xf32>
    %select_n3A_69 = arith.select %broadcast_in_dim3A_67, %slice3A, %broadcast_in_dim3A_68 : vector<10000x4xi1>, vector<10000x4xf32>
    %reduce_max3A_70 = arith.constant dense<0xFF800000> : vector<4xf32>
    %reduce_max3A_71 = vector.multi_reduction <maximumf>, %select_n3A_69, %reduce_max3A_70 [0] : vector<10000x4xf32> to vector<4xf32>
    %broadcast_in_dim3A_72 = vector.shape_cast %reduce_max3A_71 : vector<4xf32> to vector<1x4xf32>
    %eq3A_73 = arith.constant 6 : i32
    %eq3A_74 = vector.broadcast %eq3A_73 : i32 to vector<10000x1xi32>
    %eq3A_75 = arith.cmpi eq, %get3A_11, %eq3A_74 : vector<10000x1xi32>
    %jit3A_76 = arith.constant 0xFF800000 : f32
    %broadcast_in_dim3A_77 = vector.shape_cast %eq3A_75 : vector<10000x1xi1> to vector<10000x1xi1>
    %broadcast_in_dim3A_78 = vector.broadcast %broadcast_in_dim3A_77 : vector<10000x1xi1> to vector<10000x4xi1>
    %broadcast_in_dim3A_79 = vector.broadcast %jit3A_76 : f32 to vector<10000x4xf32>
    %select_n3A_80 = arith.select %broadcast_in_dim3A_78, %slice3A, %broadcast_in_dim3A_79 : vector<10000x4xi1>, vector<10000x4xf32>
    %reduce_max3A_81 = arith.constant dense<0xFF800000> : vector<4xf32>
    %reduce_max3A_82 = vector.multi_reduction <maximumf>, %select_n3A_80, %reduce_max3A_81 [0] : vector<10000x4xf32> to vector<4xf32>
    %broadcast_in_dim3A_83 = vector.shape_cast %reduce_max3A_82 : vector<4xf32> to vector<1x4xf32>
    %eq3A_84 = arith.constant 7 : i32
    %eq3A_85 = vector.broadcast %eq3A_84 : i32 to vector<10000x1xi32>
    %eq3A_86 = arith.cmpi eq, %get3A_11, %eq3A_85 : vector<10000x1xi32>
    %jit3A_87 = arith.constant 0xFF800000 : f32
    %broadcast_in_dim3A_88 = vector.shape_cast %eq3A_86 : vector<10000x1xi1> to vector<10000x1xi1>
    %broadcast_in_dim3A_89 = vector.broadcast %broadcast_in_dim3A_88 : vector<10000x1xi1> to vector<10000x4xi1>
    %broadcast_in_dim3A_90 = vector.broadcast %jit3A_87 : f32 to vector<10000x4xf32>
    %select_n3A_91 = arith.select %broadcast_in_dim3A_89, %slice3A, %broadcast_in_dim3A_90 : vector<10000x4xi1>, vector<10000x4xf32>
    %reduce_max3A_92 = arith.constant dense<0xFF800000> : vector<4xf32>
    %reduce_max3A_93 = vector.multi_reduction <maximumf>, %select_n3A_91, %reduce_max3A_92 [0] : vector<10000x4xf32> to vector<4xf32>
    %broadcast_in_dim3A_94 = vector.shape_cast %reduce_max3A_93 : vector<4xf32> to vector<1x4xf32>
    %eq3A_95 = arith.constant 8 : i32
    %eq3A_96 = vector.broadcast %eq3A_95 : i32 to vector<10000x1xi32>
    %eq3A_97 = arith.cmpi eq, %get3A_11, %eq3A_96 : vector<10000x1xi32>
    %jit3A_98 = arith.constant 0xFF800000 : f32
    %broadcast_in_dim3A_99 = vector.shape_cast %eq3A_97 : vector<10000x1xi1> to vector<10000x1xi1>
    %broadcast_in_dim3A_100 = vector.broadcast %broadcast_in_dim3A_99 : vector<10000x1xi1> to vector<10000x4xi1>
    %broadcast_in_dim3A_101 = vector.broadcast %jit3A_98 : f32 to vector<10000x4xf32>
    %select_n3A_102 = arith.select %broadcast_in_dim3A_100, %slice3A, %broadcast_in_dim3A_101 : vector<10000x4xi1>, vector<10000x4xf32>
    %reduce_max3A_103 = arith.constant dense<0xFF800000> : vector<4xf32>
    %reduce_max3A_104 = vector.multi_reduction <maximumf>, %select_n3A_102, %reduce_max3A_103 [0] : vector<10000x4xf32> to vector<4xf32>
    %broadcast_in_dim3A_105 = vector.shape_cast %reduce_max3A_104 : vector<4xf32> to vector<1x4xf32>
    %eq3A_106 = arith.constant 9 : i32
    %eq3A_107 = vector.broadcast %eq3A_106 : i32 to vector<10000x1xi32>
    %eq3A_108 = arith.cmpi eq, %get3A_11, %eq3A_107 : vector<10000x1xi32>
    %jit3A_109 = arith.constant 0xFF800000 : f32
    %broadcast_in_dim3A_110 = vector.shape_cast %eq3A_108 : vector<10000x1xi1> to vector<10000x1xi1>
    %broadcast_in_dim3A_111 = vector.broadcast %broadcast_in_dim3A_110 : vector<10000x1xi1> to vector<10000x4xi1>
    %broadcast_in_dim3A_112 = vector.broadcast %jit3A_109 : f32 to vector<10000x4xf32>
    %select_n3A_113 = arith.select %broadcast_in_dim3A_111, %slice3A, %broadcast_in_dim3A_112 : vector<10000x4xi1>, vector<10000x4xf32>
    %reduce_max3A_114 = arith.constant dense<0xFF800000> : vector<4xf32>
    %reduce_max3A_115 = vector.multi_reduction <maximumf>, %select_n3A_113, %reduce_max3A_114 [0] : vector<10000x4xf32> to vector<4xf32>
    %broadcast_in_dim3A_116 = vector.shape_cast %reduce_max3A_115 : vector<4xf32> to vector<1x4xf32>
    %eq3A_117 = arith.constant 10 : i32
    %eq3A_118 = vector.broadcast %eq3A_117 : i32 to vector<10000x1xi32>
    %eq3A_119 = arith.cmpi eq, %get3A_11, %eq3A_118 : vector<10000x1xi32>
    %jit3A_120 = arith.constant 0xFF800000 : f32
    %broadcast_in_dim3A_121 = vector.shape_cast %eq3A_119 : vector<10000x1xi1> to vector<10000x1xi1>
    %broadcast_in_dim3A_122 = vector.broadcast %broadcast_in_dim3A_121 : vector<10000x1xi1> to vector<10000x4xi1>
    %broadcast_in_dim3A_123 = vector.broadcast %jit3A_120 : f32 to vector<10000x4xf32>
    %select_n3A_124 = arith.select %broadcast_in_dim3A_122, %slice3A, %broadcast_in_dim3A_123 : vector<10000x4xi1>, vector<10000x4xf32>
    %reduce_max3A_125 = arith.constant dense<0xFF800000> : vector<4xf32>
    %reduce_max3A_126 = vector.multi_reduction <maximumf>, %select_n3A_124, %reduce_max3A_125 [0] : vector<10000x4xf32> to vector<4xf32>
    %broadcast_in_dim3A_127 = vector.shape_cast %reduce_max3A_126 : vector<4xf32> to vector<1x4xf32>
    %eq3A_128 = arith.constant 11 : i32
    %eq3A_129 = vector.broadcast %eq3A_128 : i32 to vector<10000x1xi32>
    %eq3A_130 = arith.cmpi eq, %get3A_11, %eq3A_129 : vector<10000x1xi32>
    %jit3A_131 = arith.constant 0xFF800000 : f32
    %broadcast_in_dim3A_132 = vector.shape_cast %eq3A_130 : vector<10000x1xi1> to vector<10000x1xi1>
    %broadcast_in_dim3A_133 = vector.broadcast %broadcast_in_dim3A_132 : vector<10000x1xi1> to vector<10000x4xi1>
    %broadcast_in_dim3A_134 = vector.broadcast %jit3A_131 : f32 to vector<10000x4xf32>
    %select_n3A_135 = arith.select %broadcast_in_dim3A_133, %slice3A, %broadcast_in_dim3A_134 : vector<10000x4xi1>, vector<10000x4xf32>
    %reduce_max3A_136 = arith.constant dense<0xFF800000> : vector<4xf32>
    %reduce_max3A_137 = vector.multi_reduction <maximumf>, %select_n3A_135, %reduce_max3A_136 [0] : vector<10000x4xf32> to vector<4xf32>
    %broadcast_in_dim3A_138 = vector.shape_cast %reduce_max3A_137 : vector<4xf32> to vector<1x4xf32>
    %eq3A_139 = arith.constant 12 : i32
    %eq3A_140 = vector.broadcast %eq3A_139 : i32 to vector<10000x1xi32>
    %eq3A_141 = arith.cmpi eq, %get3A_11, %eq3A_140 : vector<10000x1xi32>
    %jit3A_142 = arith.constant 0xFF800000 : f32
    %broadcast_in_dim3A_143 = vector.shape_cast %eq3A_141 : vector<10000x1xi1> to vector<10000x1xi1>
    %broadcast_in_dim3A_144 = vector.broadcast %broadcast_in_dim3A_143 : vector<10000x1xi1> to vector<10000x4xi1>
    %broadcast_in_dim3A_145 = vector.broadcast %jit3A_142 : f32 to vector<10000x4xf32>
    %select_n3A_146 = arith.select %broadcast_in_dim3A_144, %slice3A, %broadcast_in_dim3A_145 : vector<10000x4xi1>, vector<10000x4xf32>
    %reduce_max3A_147 = arith.constant dense<0xFF800000> : vector<4xf32>
    %reduce_max3A_148 = vector.multi_reduction <maximumf>, %select_n3A_146, %reduce_max3A_147 [0] : vector<10000x4xf32> to vector<4xf32>
    %broadcast_in_dim3A_149 = vector.shape_cast %reduce_max3A_148 : vector<4xf32> to vector<1x4xf32>
    %eq3A_150 = arith.constant 13 : i32
    %eq3A_151 = vector.broadcast %eq3A_150 : i32 to vector<10000x1xi32>
    %eq3A_152 = arith.cmpi eq, %get3A_11, %eq3A_151 : vector<10000x1xi32>
    %jit3A_153 = arith.constant 0xFF800000 : f32
    %broadcast_in_dim3A_154 = vector.shape_cast %eq3A_152 : vector<10000x1xi1> to vector<10000x1xi1>
    %broadcast_in_dim3A_155 = vector.broadcast %broadcast_in_dim3A_154 : vector<10000x1xi1> to vector<10000x4xi1>
    %broadcast_in_dim3A_156 = vector.broadcast %jit3A_153 : f32 to vector<10000x4xf32>
    %select_n3A_157 = arith.select %broadcast_in_dim3A_155, %slice3A, %broadcast_in_dim3A_156 : vector<10000x4xi1>, vector<10000x4xf32>
    %reduce_max3A_158 = arith.constant dense<0xFF800000> : vector<4xf32>
    %reduce_max3A_159 = vector.multi_reduction <maximumf>, %select_n3A_157, %reduce_max3A_158 [0] : vector<10000x4xf32> to vector<4xf32>
    %broadcast_in_dim3A_160 = vector.shape_cast %reduce_max3A_159 : vector<4xf32> to vector<1x4xf32>
    %eq3A_161 = arith.constant 14 : i32
    %eq3A_162 = vector.broadcast %eq3A_161 : i32 to vector<10000x1xi32>
    %eq3A_163 = arith.cmpi eq, %get3A_11, %eq3A_162 : vector<10000x1xi32>
    %jit3A_164 = arith.constant 0xFF800000 : f32
    %broadcast_in_dim3A_165 = vector.shape_cast %eq3A_163 : vector<10000x1xi1> to vector<10000x1xi1>
    %broadcast_in_dim3A_166 = vector.broadcast %broadcast_in_dim3A_165 : vector<10000x1xi1> to vector<10000x4xi1>
    %broadcast_in_dim3A_167 = vector.broadcast %jit3A_164 : f32 to vector<10000x4xf32>
    %select_n3A_168 = arith.select %broadcast_in_dim3A_166, %slice3A, %broadcast_in_dim3A_167 : vector<10000x4xi1>, vector<10000x4xf32>
    %reduce_max3A_169 = arith.constant dense<0xFF800000> : vector<4xf32>
    %reduce_max3A_170 = vector.multi_reduction <maximumf>, %select_n3A_168, %reduce_max3A_169 [0] : vector<10000x4xf32> to vector<4xf32>
    %broadcast_in_dim3A_171 = vector.shape_cast %reduce_max3A_170 : vector<4xf32> to vector<1x4xf32>
    %eq3A_172 = arith.constant 15 : i32
    %eq3A_173 = vector.broadcast %eq3A_172 : i32 to vector<10000x1xi32>
    %eq3A_174 = arith.cmpi eq, %get3A_11, %eq3A_173 : vector<10000x1xi32>
    %jit3A_175 = arith.constant 0xFF800000 : f32
    %broadcast_in_dim3A_176 = vector.shape_cast %eq3A_174 : vector<10000x1xi1> to vector<10000x1xi1>
    %broadcast_in_dim3A_177 = vector.broadcast %broadcast_in_dim3A_176 : vector<10000x1xi1> to vector<10000x4xi1>
    %broadcast_in_dim3A_178 = vector.broadcast %jit3A_175 : f32 to vector<10000x4xf32>
    %select_n3A_179 = arith.select %broadcast_in_dim3A_177, %slice3A, %broadcast_in_dim3A_178 : vector<10000x4xi1>, vector<10000x4xf32>
    %reduce_max3A_180 = arith.constant dense<0xFF800000> : vector<4xf32>
    %reduce_max3A_181 = vector.multi_reduction <maximumf>, %select_n3A_179, %reduce_max3A_180 [0] : vector<10000x4xf32> to vector<4xf32>
    %broadcast_in_dim3A_182 = vector.shape_cast %reduce_max3A_181 : vector<4xf32> to vector<1x4xf32>
    %concatenate3A = tpu.concatenate %broadcast_in_dim3A_17, %broadcast_in_dim3A_28, %broadcast_in_dim3A_39, %broadcast_in_dim3A_50, %broadcast_in_dim3A_61, %broadcast_in_dim3A_72, %broadcast_in_dim3A_83, %broadcast_in_dim3A_94, %broadcast_in_dim3A_105, %broadcast_in_dim3A_116, %broadcast_in_dim3A_127, %broadcast_in_dim3A_138, %broadcast_in_dim3A_149, %broadcast_in_dim3A_160, %broadcast_in_dim3A_171, %broadcast_in_dim3A_182 in 0 : vector<1x4xf32>, vector<1x4xf32>, vector<1x4xf32>, vector<1x4xf32>, vector<1x4xf32>, vector<1x4xf32>, vector<1x4xf32>, vector<1x4xf32>, vector<1x4xf32>, vector<1x4xf32>, vector<1x4xf32>, vector<1x4xf32>, vector<1x4xf32>, vector<1x4xf32>, vector<1x4xf32>, vector<1x4xf32> -> vector<16x4xf32>
    %is_finite3A = tpu.weird %concatenate3A : vector<16x4xf32> -> vector<16x4xi1>
    %is_finite3A_183 = arith.constant dense<true> : vector<16x4xi1>
    %is_finite3A_184 = arith.xori %is_finite3A, %is_finite3A_183 : vector<16x4xi1>
    %jit3A_185 = arith.constant 0.000000e+00 : f32
    %broadcast_in_dim3A_186 = vector.broadcast %jit3A_185 : f32 to vector<16x4xf32>
    %select_n3A_187 = arith.select %is_finite3A_184, %concatenate3A, %broadcast_in_dim3A_186 : vector<16x4xi1>, vector<16x4xf32>
    %swap3A = arith.constant 0 : index
    %swap3A_188 = arith.constant 0 : index
    %swap3A_189 = vector.load %arg2[%swap3A, %swap3A_188] : memref<16x4xf32, #tpu.memory_space<vmem>>, vector<16x4xf32>
    tpu.vector_store %arg2[%swap3A, %swap3A_188], %select_n3A_187 {strides = array<i32>} : memref<16x4xf32, #tpu.memory_space<vmem>>, vector<16x4xf32>,
    return
  }
}

</mosaic_0001>

<sc_bundles>
// kernel: kernel.10.cloned.1.call-start
scs
__scs_entry_jumppad:
0x0: {  	(pc) =	sbr.rel $0x88, $3  }
0x1: {  	(tag) =	ssettag $0x0;
	lr =	simm.s32 $0x1  }
0x2: {  	[smem:$0x3F89] =	sst lr;
	_ =	strace $0xD0000000  }
0x3: {  	_ = 	snop  }
0x4: {  	_ = 	snop  }
0x5: {  	_ = 	snop  }
0x6: {  	_ = 	snop  }
0x7: {  	_ = 	snop  }
__scs_overlays_trampoline_lowered:
0x8: {  	[smem:$0x3F98] =	sst s0  }
0x9: {  	[smem:$0x3F99] =	sst s1  }
0xa: {  	[smem:$0x3F9A] =	sst s2  }
0xb: {  	[smem:$0x3F9B] =	sst s3  }
0xc: {  	[smem:$0x3F9C] =	sst s4  }
0xd: {  	[smem:$0x3F9D] =	sst s5  }
0xe: {  	[smem:$0x3F9E] =	sst s6  }
0xf: {  	[smem:$0x3F9F] =	sst s7  }
0x10: {  	[smem:$0x3FA0] =	sst s8  }
0x11: {  	[smem:$0x3FA1] =	sst s9;
	s0 =	simm.s32 @!p0 $0x0  }
0x12: {  	s1 =	sld [smem:$0x3F87];
	s0 =	simm.s32 @p0 $0x1  }
0x13: {  	[smem:$0x3FA2] =	sst s0;
	s0 =	simm.s32 @!p1 $0x0  }
0x14: {  	s2 =	sld [smem:$0x3F86];
	s0 =	simm.s32 @p1 $0x1  }
0x15: {  	[smem:$0x3FA3] =	sst s0;
	s0 =	simm.s32 @!p2 $0x0  }
0x16: {  	s3 =	sld [smem:$0x3FDB];
	s0 =	simm.s32 @p2 $0x1  }
0x17: {  	s4 =	simm.s32 $0x1BF5;
	[smem:$0x3FA5] =	sst s0  }
0x18: {  	s0 =	sld [smem:$0x3F88];
	_ =	swait.ge [sflag:s4], $0x0  }
0x19: {  	s7 =	sld [smem:$0x3F89]  }
0x1a: {  	s8 =	sadd.s32 $0xFFFFE003, lr  }
0x1b: {  	s9 =	sadd.s32 $0xFFFFFEF7, lr;
	s5 =	simm.s32 $0xFFFFFFFF;
	p2 =	slt.u32 s8, $0xFFFFF086  }
0x1c: {  	p1 =	slt.u32 s9, $0xF7A;
	s5 =	simm.s32 @!p2 $0x0  }
0x1d: {  	s5 =	simm.s32 @p1 $0x1;
	p0 =	seq.s32 s7, s2  }
0x1e: {  	s7 =	smul.u32 @!p0 $0xF7A, s2;
	p2 =	seq.s32 @!p0 s5, $0x0  }
0x1f: {  	s9 =	smul.u32 $0xF7A, s1;
	s8 =	simm.s32 @!p0 $0x1BF5;
	p2 =	por !p2, p0  }
0x20: {  	[sflag:s8] =	ssyncset.s32 @!p0 $0xFFFFF086;
	s6 =	sadd.s32 @!p0 s3, s7;
	s7 =	simm.s32 @!p0 $0x108  }
0x21: {  	s3 =	sadd.s32 s3, s9;
	s6 =	sadd.s32 @!p0 $0x88, s6;
	s7 =	simm.s32 @p2 $0x1082  }
0x22: {  	[simem:s7], [sflag:s8] =	dma.local @!p0 [hbm:s6], $0xF7A  }
0x23: {  	s9 =	sor.u32 $0xD0000000, s2;
	s6 =	simm.s32 $0x108;
	_ =	swait.ge @!p0 [sflag:s8], $0x0  }
0x24: {  	s3 =	sadd.s32 $0x88, s3;
	s6 =	simm.s32 @!p1 $0x1082;
	[sflag:s4] =	ssyncset.s32 $0xFFFFF086  }
0x25: {  	[simem:s6], [sflag:s4] =	dma.local [hbm:s3], $0xF7A  }
0x26: {  	[smem:$0x3F89] =	sst s1;
	(tag) =	ssettag s2;
	_ =	strace s9  }
0x27: {  	s1 =	sld [smem:$0x3F99]  }
0x28: {  	s2 =	sld [smem:$0x3F9A]  }
0x29: {  	s4 =	sld [smem:$0x3F9C]  }
0x2a: {  	p0 =	seq.s32 s5, $0x0;
	s5 =	sld [smem:$0x3F9D]  }
0x2b: {  	s6 =	sld [smem:$0x3F9E]  }
0x2c: {  	s7 =	sld [smem:$0x3F9F]  }
0x2d: {  	s3 =	simm.s32 $0x108;
	s8 =	sld [smem:$0x3FA0]  }
0x2e: {  	s3 =	simm.s32 @!p0 $0x1082;
	s9 =	sld [smem:$0x3FA1]  }
0x2f: {  	lr =	sadd.s32 s0, s3;
	s0 =	sld [smem:$0x3F98]  }
0x30: {  	s3 =	sld [smem:$0x3F9B]  }
0x31: {  	[smem:$0x3FA4] =	sst s10  }
0x32: {  	s10 =	sld [smem:$0x3FA2];
	_ =	sdelay $0x3  }
0x33: {  	p0 =	seq.s32 s10, $0x1;
	s10 =	sld [smem:$0x3FA4];
	_ =	sdelay $0x3  }
0x34: {  	[smem:$0x3FA4] =	sst s10  }
0x35: {  	s10 =	sld [smem:$0x3FA3];
	_ =	sdelay $0x3  }
0x36: {  	p1 =	seq.s32 s10, $0x1;
	s10 =	sld [smem:$0x3FA4];
	_ =	sdelay $0x3  }
0x37: {  	[smem:$0x3FA4] =	sst s10  }
0x38: {  	s10 =	sld [smem:$0x3FA5]  }
0x39: {  	_ = 	snop;
	(pc) =	sbr.ind lr, $3  }
0x3a: {  	_ = 	snop  }
0x3b: {  	_ = 	snop  }
0x3c: {  	p2 =	seq.s32 s10, $0x1;
	s10 =	sld [smem:$0x3FA4]  }
0x3d: {  	_ =	shalt  }
0x3e: {  	_ =	shalt  }
0x3f: {  	_ =	shalt  }
0x40: {  	_ =	shalt  }
0x41: {  	_ =	shalt  }
0x42: {  	_ =	shalt  }
0x43: {  	_ =	shalt  }
0x44: {  	_ =	shalt  }
0x45: {  	_ =	shalt  }
0x46: {  	_ =	shalt  }
0x47: {  	_ =	shalt  }
0x48: {  	_ =	shalt  }
0x49: {  	_ =	shalt  }
0x4a: {  	_ =	shalt  }
0x4b: {  	_ =	shalt  }
0x4c: {  	_ =	shalt  }
0x4d: {  	_ =	shalt  }
0x4e: {  	_ =	shalt  }
0x4f: {  	_ =	shalt  }
0x50: {  	_ =	shalt  }
0x51: {  	_ =	shalt  }
0x52: {  	_ =	shalt  }
0x53: {  	_ =	shalt  }
0x54: {  	_ =	shalt  }
0x55: {  	_ =	shalt  }
0x56: {  	_ =	shalt  }
0x57: {  	_ =	shalt  }
0x58: {  	_ =	shalt  }
0x59: {  	_ =	shalt  }
0x5a: {  	_ =	shalt  }
0x5b: {  	_ =	shalt  }
0x5c: {  	_ =	shalt  }
0x5d: {  	_ =	shalt  }
0x5e: {  	_ =	shalt  }
0x5f: {  	_ =	shalt  }
0x60: {  	_ =	shalt  }
0x61: {  	_ =	shalt  }
0x62: {  	_ =	shalt  }
0x63: {  	_ =	shalt  }
0x64: {  	_ =	shalt  }
0x65: {  	_ =	shalt  }
0x66: {  	_ =	shalt  }
0x67: {  	_ =	shalt  }
0x68: {  	_ =	shalt  }
0x69: {  	_ =	shalt  }
0x6a: {  	_ =	shalt  }
0x6b: {  	_ =	shalt  }
0x6c: {  	_ =	shalt  }
0x6d: {  	_ =	shalt  }
0x6e: {  	_ =	shalt  }
0x6f: {  	_ =	shalt  }
0x70: {  	_ =	shalt  }
0x71: {  	_ =	shalt  }
0x72: {  	_ =	shalt  }
0x73: {  	_ =	shalt  }
0x74: {  	_ =	shalt  }
0x75: {  	_ =	shalt  }
0x76: {  	_ =	shalt  }
0x77: {  	_ =	shalt  }
0x78: {  	_ =	shalt  }
0x79: {  	_ =	shalt  }
0x7a: {  	_ =	shalt  }
0x7b: {  	_ =	shalt  }
0x7c: {  	_ =	shalt  }
0x7d: {  	_ =	shalt  }
0x7e: {  	_ =	shalt  }
0x7f: {  	_ =	shalt  }
0x80: {  	_ =	shalt  }
0x81: {  	_ =	shalt  }
0x82: {  	_ =	shalt  }
0x83: {  	_ =	shalt  }
0x84: {  	_ =	shalt  }
0x85: {  	_ =	shalt  }
0x86: {  	_ =	shalt  }
0x87: {  	_ =	shalt  }
.Lfunc_end0:
.L_simem_size_0:
called_computation.1_lowered:
.L_overlay_start_0:
0x88: {  	s2 =	sld [smem:$0x3FD9]  }
0x89: {  	s3 =	sld [smem:$0x3FFE];
	_ =	sdelay $0x1  }
0x8a: {  	s1 =	srdreg.scid  }
0x8b: {  	s0 =	sand.u32 $0x1, s1  }
0x8c: {  	s16 =	sshll.u32 s0, $0xA;
	s2 =	sadd.s32 s3, s2  }
0x8d: {  	s2 =	sadd.s32 s2, s16  }
0x8e: {  	[smem:$0x3FB0] =	sst s2  }
0x8f: {  	_ = 	snop  }
0x90: {  	(tm) =	ssettm $0x1  }
0x91: {  	s17 =	sld [smem:$0x3FFB];
	_ =	sdelay $0x3  }
0x92: {  	_ =	strace s17  }
0x93: {  	s2 =	sld [smem:$0x3FFC];
	_ =	sdelay $0x3  }
0x94: {  	_ =	strace s2  }
0x95: {  	s2 =	sld [smem:$0x3FFD];
	_ =	sdelay $0x3  }
0x96: {  	_ =	strace s2  }
0x97: {  	_ =	strace $0x8FFFFFFF  }
0x98: {  	s18 =	sld [smem:$0x3FDB];
	_ =	sdelay $0x1  }
0x99: {  	s19 =	simm.s32 $_scs_section_size  }
0x9a: {  	s4 =	simm.s32 $_size__tile_overlayer_lowered;
	s5 =	simm.s32 $_tile_overlayer_lowered  }
0x9b: {  	s22 =	simm.s32 $0x1BFF;
	s21 =	sshll.u32 s5, $0x1;
	s2 =	sadd.s32 s19, s18  }
0x9c: {  	s6 =	simm.s32 $0x0;
	s20 =	sshll.u32 s4, $0x1;
	s4 =	sadd.s32 s21, s2  }
0x9d: {  	[timem:s6], [sflag:s22] =	dma.local [hbm:s4], s20  }
0x9e: {  	_ =	swait.ge [sflag:s22], s20  }
0x9f: {  	s3 =	ssub.s32 $0x0, s20;
	[sflag:s22] =	ssyncset.done $0x0  }
0xa0: {  	[sflag:s22] =	ssyncadd.s32 s3;
	_ =	sdelay $0x1  }
0xa1: {  	s23 =	simm.s32 $0x1B8B  }
0xa2: {  	_ =	swait.ge [sflag:s23], $0x1  }
0xa3: {  	[sflag:s23] =	ssyncset.done $0x0  }
0xa4: {  	s25 =	simm.s32 $0x1B8E;
	s24 =	sld [smem:$0x3FFE];
	[sflag:s23] =	ssyncadd.s32 $0xFFFFFFFF  }
0xa5: {  	s26 =	simm.s32 $execute0_lowered;
	[smem:$0x3FD2] =	sst s25  }
0xa6: {  	s4 =	sshll.u32 s26, $0x1;
	_ =	strace $0x80000049;
	[dreg:$0x1] =	wrdreg $0xFFFFFFFF  }
0xa7: {  	s28 =	simm.s32 $_size_execute0_lowered;
	s2 =	sadd.s32 s2, s4;
	[dreg:$0x0] =	wrdreg $0x0  }
0xa8: {  	s4 =	sshll.u32 s28, $0x1;
	[dreg:$0x2] =	wrdreg s2  }
0xa9: {  	[dreg:$0x3] =	wrdreg s4  }
0xaa: {  	[dreg:$0x4] =	wrdreg $0xC0  }
0xab: {  	_ =	task [dreg:s6], $0x5FFFF  }
0xac: {  	[dreg:$0x1] =	wrdreg $0xFFFFFFFF  }
0xad: {  	[dreg:$0x0] =	wrdreg $0x60  }
0xae: {  	[dreg:$0x2] =	wrdreg s24  }
0xaf: {  	[dreg:$0x3] =	wrdreg $0x5500  }
0xb0: {  	[dreg:$0x4] =	wrdreg $0x9  }
0xb1: {  	_ =	task.clear_ibuf [dreg:s6], $0x5FFFF;
	_ =	strace $0x90000049  }
0xb2: {  	s29 =	simm.s32 $0x9;
	_ =	strace $0x8000004B  }
0xb3: {  	_ =	swait.ge [sflag:s29], $0x1  }
0xb4: {  	[sflag:s29] =	ssyncadd.s32 $0xFFFFFFFF  }
0xb5: {  	_ =	strace $0x9000004B  }
0xb6: {  	_ =	sfence  }
0xb7: {  	s30 =	sld [smem:$0x0];
	_ =	sdelay $0x2  }
0xb8: {  	s31 =	sshll.u32 s1, $0xD;
	s1 =	sshrl.u32 s1, $0x2  }
0xb9: {  	s3 =	sand.u32 $0x4000, s31;
	s1 =	sadd.s32 s1, s30  }
0xba: {  	s0 =	sor.u32 s3, s0;
	s1 =	sshll.u32 s1, $0x11  }
0xbb: {  	s0 =	sor.u32 s1, s0  }
0xbc: {  	s0 =	sadd.s32 $0x8F2B, s0  }
0xbd: {  	[sflag:s0] =	ssyncadd.remote.s32 $0x1  }
0xbe: {  	_ =	sfence.sel $0xFFFF  }
0xbf: {  	[dreg:$0x0] =	wrdreg $0xFFFFFFFF;
	(pc) =	sbr.abs _section_cstart, $3  }
0xc0: {  	[dreg:$0x1] =	wrdreg $0xFFFFFFFF  }
0xc1: {  	_ =	task.clear_ibuf [dreg:s6], $0x2FFFF;
	_ =	strace $0x9FFFFFFF  }
0xc2: {  	(tm) =	ssettm $0x7FFFFFFF  }
0xc3: {  	_ =	shalt  }
tec
execute0_lowered:
.L_overlay_start_1:
0x0: {  	(tag) =	ssettag $0x1  }
0x1: {  	s0 =	srdreg.scid;
	s5 =	rddreg [dreg:$0x0]  }
0x2: {  	s6 =	stileid.u32;
	s1 =	rddreg [dreg:$0x1]  }
0x3: {  	s2 =	simm.s32 $0x0;
	s11 =	simm.s32 $0x0;
	s4 =	smul.u32 $0x4E20, s6  }
0x4: {  	s3 =	sand.u32 $0x1, s0;
	s0 =	rddreg [dreg:$0x2];
	s10 =	smul.u32 $0x9C40, s6  }
0x5: {  	[smem:$0x7FF] =	sst s2;
	p0 =	sne.s32 s6, $0x0;
	s7 =	smul.u32 $0x2710, s3  }
0x6: {  	s29 =	smul.u32 $0x4E20, s3;
	_ =	strace $0x8000004A;
	s30 =	ssub.s32 $0x2, s3  }
0x7: {  	s3 =	sadd.s32 $0x3600, s5;
	s9 =	sshrl.u32 s30, $0x1;
	s4 =	sadd.s32 s7, s4  }
0x8: {  	s7 =	sadd.s32 s29, s5;
	s31 =	ssub.s32 s30, s9;
	s4 =	sshrl.u32 s4, $0x3  }
0x9: {  	s9 =	simm.s32 $0x1;
	s8 =	sadd.s32 s4, s5;
	s4 =	sadd.s32 $0x3E400, s7  }
0xa: {  	s5 =	smax.u32 s31, $0x1;
	s7 =	sadd.s32 s10, s7;
	s10 =	simm.s32 $0x50  }
0xb: {  	s6 =	sadd.s32 $0x520400, s7;
	s7 =	sadd.s32 $0xD400, s8;
	s8 =	sshrl.u32 @!p0 s1, $0x3  }
.LBB2_1:
0xc: {  	s12 =	simm.s32 @!p0 $0x1C01  }
0xd: {  	[spmem:s8], [sflag:s12] =	dma.local @!p0 [hbm:s3], $0x4E20  }
0xe: {  	s12 =	simm.s32 @!p0 $0x1  }
0xf: {  	_ =	swait.ge @!p0 [sflag:s12], $0x4E20  }
0x10: {  	[sflag:s12] =	ssyncset.done @!p0 $0x0  }
0x11: {  	[sflag:s12] =	ssyncadd.s32 @!p0 $0xFFFFB1E0  }
0x12: {  	s31 =	sadd.s32 $0x0, s7;
	[bflag:$0x0] =	sbarrier.arrive $0xFFFF  }
0x13: {  	[tilespmem:s2], [sflag:$0x1] =	stream.linear.gather [hbm4b:s31+s2], $0x50, $0x38;
	[tilespmem:$0x2C60] =	vst v63  }
0x14: {  	_ =	swait.ge [sflag:s9], $0x50  }
0x15: {  	[sflag:s9] =	ssyncset.done $0x0  }
0x16: {  	[sflag:s9] =	ssyncadd.s32 $0xFFFFFFB0  }
0x17: {  	[tilespmem:s10], [sflag:$0x1] =	stream.linear.gather [hbm4b:s6+s2], $0x500, $0x38;
	[tilespmem:$0x2C60] =	vst v63  }
0x18: {  	_ =	swait.ge [sflag:s9], $0x500  }
0x19: {  	[sflag:s9] =	ssyncset.done $0x0  }
0x1a: {  	[sflag:s9] =	ssyncadd.s32 $0xFFFFFB00  }
0x1b: {  	[spmem:s1] =	stream.indirect.scatter.add.f32 [tilespmem:s10], [sflag:$0x1], $0x10, s2, s10, $0xb8;
	[tilespmem:$0x2C60] =	vst v63  }
0x1c: {  	s13 =	simm.s32 $0xA;
	_ =	swait.ge [sflag:s9], $0x500  }
0x1d: {  	s14 =	simm.s32 $0x14;
	s12 =	sadd.s32 $0xA0, s6;
	[sflag:s9] =	ssyncset.done $0x0  }
.LBB2_2:
0x1e: {  	s15 =	sadd.s32 s13, s7  }
0x1f: {  	[sflag:s9] =	ssyncadd.s32 $0xFFFFFB00;
	s13 =	smov.u32 s14;
	s16 =	sadd.s32 $0xA, s14  }
0x20: {  	[tilespmem:s2], [sflag:$0x1] =	stream.linear.gather [hbm4b:s15+s2], $0x50, $0x38;
	[tilespmem:$0x2C60] =	vst v63  }
0x21: {  	p1 =	sne.s32 s14, $0x4D8;
	_ =	swait.ge [sflag:s9], $0x50  }
0x22: {  	[sflag:s9] =	ssyncset.done $0x0  }
0x23: {  	[sflag:s9] =	ssyncadd.s32 $0xFFFFFFB0  }
0x24: {  	[tilespmem:s10], [sflag:$0x1] =	stream.linear.gather [hbm4b:s12+s2], $0x500, $0x38;
	[tilespmem:$0x2C60] =	vst v63  }
0x25: {  	_ =	swait.ge [sflag:s9], $0x500  }
.Ltmp0:
0x26: {  	[sflag:s9] =	ssyncset.done $0x0;
	(pc) =	sbr.rel @p1 .LBB2_2-.Ltmp0, $4  }
0x27: {  	[sflag:s9] =	ssyncadd.s32 $0xFFFFFB00  }
0x28: {  	[spmem:s1] =	stream.indirect.scatter.add.f32 [tilespmem:s10], [sflag:$0x1], $0x10, s2, s10, $0xb8;
	[tilespmem:$0x2C60] =	vst v63  }
0x29: {  	_ =	swait.ge [sflag:s9], $0x500  }
0x2a: {  	s14 =	smov.u32 s16;
	s12 =	sadd.s32 $0xA0, s12;
	[sflag:s9] =	ssyncset.done $0x0  }
0x2b: {  	s13 =	sadd.s32 s13, s7;
	[sflag:s9] =	ssyncadd.s32 $0xFFFFFB00  }
0x2c: {  	[tilespmem:s2], [sflag:$0x1] =	stream.linear.gather [hbm4b:s13+s2], $0x50, $0x38;
	[tilespmem:$0x2C60] =	vst v63  }
0x2d: {  	_ =	swait.ge [sflag:s9], $0x50  }
0x2e: {  	[sflag:s9] =	ssyncset.done $0x0  }
0x2f: {  	[sflag:s9] =	ssyncadd.s32 $0xFFFFFFB0  }
0x30: {  	[tilespmem:s10], [sflag:$0x1] =	stream.linear.gather [hbm4b:s12+s2], $0x500, $0x38;
	[tilespmem:$0x2C60] =	vst v63  }
0x31: {  	_ =	swait.ge [sflag:s9], $0x500  }
0x32: {  	[sflag:s9] =	ssyncset.done $0x0  }
0x33: {  	[sflag:s9] =	ssyncadd.s32 $0xFFFFFB00  }
0x34: {  	[spmem:s1] =	stream.indirect.scatter.add.f32 [tilespmem:s10], [sflag:$0x1], $0x10, s2, s10, $0xb8;
	[tilespmem:$0x2C60] =	vst v63  }
0x35: {  	_ =	swait.ge [sflag:s9], $0x500  }
0x36: {  	[sflag:s9] =	ssyncset.done $0x0  }
0x37: {  	s11 =	sadd.s32 $0x1, s11;
	[sflag:s9] =	ssyncadd.s32 $0xFFFFFB00  }
0x38: {  	p1 =	sne.s32 s11, s5;
	s12 =	simm.s32 @!p0 $0x1C01;
	[bflag:$0x0] =	sbarrier.arrive $0xFFFF  }
0x39: {  	[hbm:s4], [sflag:s12] =	dma.local @!p0 [spmem:s8], $0x4E20  }
.Ltmp1:
0x3a: {  	_ = 	snop;
	(pc) =	sbr.rel @p1 .LBB2_1-.Ltmp1, $4  }
0x3b: {  	s12 =	simm.s32 @!p0 $0x1  }
0x3c: {  	_ =	swait.ge @!p0 [sflag:s12], $0x4E20  }
0x3d: {  	[sflag:s12] =	ssyncset.done @!p0 $0x0  }
0x3e: {  	[sflag:s12] =	ssyncadd.s32 @!p0 $0xFFFFB1E0  }
0x3f: {  	_ =	sfence.sel $0x180000  }
0x40: {  	[bflag:$0x0] =	sbarrier.arrive $0xFFFF  }
0x41: {  	_ =	strace $0x9000004A  }
0x42: {  	s0 =	sadd.s32 @!p0 $0x100000, s0;
	[bflag:$0x2] =	sbarrier.arrive $0xFFFF  }
0x43: {  	[sflag:s0] =	ssyncadd.tile.s32 @!p0 $0x1;
	_ =	shalt  }
.Lfunc_end2:
_tile_overlayer_lowered:
.L_overlay_start_2:
0x44: {  	(tag) =	ssettag $0x2  }
0x45: {  	s0 =	rddreg [dreg:$0x0];
	s2 =	stileid.u32  }
0x46: {  	s1 =	rddreg [dreg:$0x1];
	p0 =	sne.s32 s2, $0x0  }
0x47: {  	s3 =	rddreg [dreg:$0x2];
	[bflag:$0x3] =	sbarrier.arrive $0xFFFF;
	s2 =	simm.s32 @!p0 $0x1C01  }
0x48: {  	[timem:s3], [sflag:s2] =	dma.local @!p0 [hbm:s0], s1  }
0x49: {  	s0 =	simm.s32 @!p0 $0x1  }
0x4a: {  	_ =	swait.ge @!p0 [sflag:s0], s1  }
0x4b: {  	s1 =	ssub.s32 @!p0 $0x0, s1;
	[sflag:s0] =	ssyncset.done @!p0 $0x0  }
0x4c: {  	[sflag:s0] =	ssyncadd.s32 @!p0 s1  }
0x4d: {  	[bflag:$0x3] =	sbarrier.arrive $0xFFFF  }
0x4e: {  	_ =	shalt  }

// kernel: kernel.7.cloned.1.call-start
scs
__scs_entry_jumppad:
0x0: {  	(pc) =	sbr.rel $0x88, $3  }
0x1: {  	(tag) =	ssettag $0x0;
	lr =	simm.s32 $0x1  }
0x2: {  	[smem:$0x3F89] =	sst lr;
	_ =	strace $0xD0000000  }
0x3: {  	_ = 	snop  }
0x4: {  	_ = 	snop  }
0x5: {  	_ = 	snop  }
0x6: {  	_ = 	snop  }
0x7: {  	_ = 	snop  }
__scs_overlays_trampoline_lowered:
0x8: {  	[smem:$0x3F98] =	sst s0  }
0x9: {  	[smem:$0x3F99] =	sst s1  }
0xa: {  	[smem:$0x3F9A] =	sst s2  }
0xb: {  	[smem:$0x3F9B] =	sst s3  }
0xc: {  	[smem:$0x3F9C] =	sst s4  }
0xd: {  	[smem:$0x3F9D] =	sst s5  }
0xe: {  	[smem:$0x3F9E] =	sst s6  }
0xf: {  	[smem:$0x3F9F] =	sst s7  }
0x10: {  	[smem:$0x3FA0] =	sst s8  }
0x11: {  	[smem:$0x3FA1] =	sst s9;
	s0 =	simm.s32 @!p0 $0x0  }
0x12: {  	s1 =	sld [smem:$0x3F87];
	s0 =	simm.s32 @p0 $0x1  }
0x13: {  	[smem:$0x3FA2] =	sst s0;
	s0 =	simm.s32 @!p1 $0x0  }
0x14: {  	s2 =	sld [smem:$0x3F86];
	s0 =	simm.s32 @p1 $0x1  }
0x15: {  	[smem:$0x3FA3] =	sst s0;
	s0 =	simm.s32 @!p2 $0x0  }
0x16: {  	s3 =	sld [smem:$0x3FDB];
	s0 =	simm.s32 @p2 $0x1  }
0x17: {  	s4 =	simm.s32 $0x1BF5;
	[smem:$0x3FA5] =	sst s0  }
0x18: {  	s0 =	sld [smem:$0x3F88];
	_ =	swait.ge [sflag:s4], $0x0  }
0x19: {  	s7 =	sld [smem:$0x3F89]  }
0x1a: {  	s8 =	sadd.s32 $0xFFFFE003, lr  }
0x1b: {  	s9 =	sadd.s32 $0xFFFFFEF7, lr;
	s5 =	simm.s32 $0xFFFFFFFF;
	p2 =	slt.u32 s8, $0xFFFFF086  }
0x1c: {  	p1 =	slt.u32 s9, $0xF7A;
	s5 =	simm.s32 @!p2 $0x0  }
0x1d: {  	s5 =	simm.s32 @p1 $0x1;
	p0 =	seq.s32 s7, s2  }
0x1e: {  	s7 =	smul.u32 @!p0 $0xF7A, s2;
	p2 =	seq.s32 @!p0 s5, $0x0  }
0x1f: {  	s9 =	smul.u32 $0xF7A, s1;
	s8 =	simm.s32 @!p0 $0x1BF5;
	p2 =	por !p2, p0  }
0x20: {  	[sflag:s8] =	ssyncset.s32 @!p0 $0xFFFFF086;
	s6 =	sadd.s32 @!p0 s3, s7;
	s7 =	simm.s32 @!p0 $0x108  }
0x21: {  	s3 =	sadd.s32 s3, s9;
	s6 =	sadd.s32 @!p0 $0x88, s6;
	s7 =	simm.s32 @p2 $0x1082  }
0x22: {  	[simem:s7], [sflag:s8] =	dma.local @!p0 [hbm:s6], $0xF7A  }
0x23: {  	s9 =	sor.u32 $0xD0000000, s2;
	s6 =	simm.s32 $0x108;
	_ =	swait.ge @!p0 [sflag:s8], $0x0  }
0x24: {  	s3 =	sadd.s32 $0x88, s3;
	s6 =	simm.s32 @!p1 $0x1082;
	[sflag:s4] =	ssyncset.s32 $0xFFFFF086  }
0x25: {  	[simem:s6], [sflag:s4] =	dma.local [hbm:s3], $0xF7A  }
0x26: {  	[smem:$0x3F89] =	sst s1;
	(tag) =	ssettag s2;
	_ =	strace s9  }
0x27: {  	s1 =	sld [smem:$0x3F99]  }
0x28: {  	s2 =	sld [smem:$0x3F9A]  }
0x29: {  	s4 =	sld [smem:$0x3F9C]  }
0x2a: {  	p0 =	seq.s32 s5, $0x0;
	s5 =	sld [smem:$0x3F9D]  }
0x2b: {  	s6 =	sld [smem:$0x3F9E]  }
0x2c: {  	s7 =	sld [smem:$0x3F9F]  }
0x2d: {  	s3 =	simm.s32 $0x108;
	s8 =	sld [smem:$0x3FA0]  }
0x2e: {  	s3 =	simm.s32 @!p0 $0x1082;
	s9 =	sld [smem:$0x3FA1]  }
0x2f: {  	lr =	sadd.s32 s0, s3;
	s0 =	sld [smem:$0x3F98]  }
0x30: {  	s3 =	sld [smem:$0x3F9B]  }
0x31: {  	[smem:$0x3FA4] =	sst s10  }
0x32: {  	s10 =	sld [smem:$0x3FA2];
	_ =	sdelay $0x3  }
0x33: {  	p0 =	seq.s32 s10, $0x1;
	s10 =	sld [smem:$0x3FA4];
	_ =	sdelay $0x3  }
0x34: {  	[smem:$0x3FA4] =	sst s10  }
0x35: {  	s10 =	sld [smem:$0x3FA3];
	_ =	sdelay $0x3  }
0x36: {  	p1 =	seq.s32 s10, $0x1;
	s10 =	sld [smem:$0x3FA4];
	_ =	sdelay $0x3  }
0x37: {  	[smem:$0x3FA4] =	sst s10  }
0x38: {  	s10 =	sld [smem:$0x3FA5]  }
0x39: {  	_ = 	snop;
	(pc) =	sbr.ind lr, $3  }
0x3a: {  	_ = 	snop  }
0x3b: {  	_ = 	snop  }
0x3c: {  	p2 =	seq.s32 s10, $0x1;
	s10 =	sld [smem:$0x3FA4]  }
0x3d: {  	_ =	shalt  }
0x3e: {  	_ =	shalt  }
0x3f: {  	_ =	shalt  }
0x40: {  	_ =	shalt  }
0x41: {  	_ =	shalt  }
0x42: {  	_ =	shalt  }
0x43: {  	_ =	shalt  }
0x44: {  	_ =	shalt  }
0x45: {  	_ =	shalt  }
0x46: {  	_ =	shalt  }
0x47: {  	_ =	shalt  }
0x48: {  	_ =	shalt  }
0x49: {  	_ =	shalt  }
0x4a: {  	_ =	shalt  }
0x4b: {  	_ =	shalt  }
0x4c: {  	_ =	shalt  }
0x4d: {  	_ =	shalt  }
0x4e: {  	_ =	shalt  }
0x4f: {  	_ =	shalt  }
0x50: {  	_ =	shalt  }
0x51: {  	_ =	shalt  }
0x52: {  	_ =	shalt  }
0x53: {  	_ =	shalt  }
0x54: {  	_ =	shalt  }
0x55: {  	_ =	shalt  }
0x56: {  	_ =	shalt  }
0x57: {  	_ =	shalt  }
0x58: {  	_ =	shalt  }
0x59: {  	_ =	shalt  }
0x5a: {  	_ =	shalt  }
0x5b: {  	_ =	shalt  }
0x5c: {  	_ =	shalt  }
0x5d: {  	_ =	shalt  }
0x5e: {  	_ =	shalt  }
0x5f: {  	_ =	shalt  }
0x60: {  	_ =	shalt  }
0x61: {  	_ =	shalt  }
0x62: {  	_ =	shalt  }
0x63: {  	_ =	shalt  }
0x64: {  	_ =	shalt  }
0x65: {  	_ =	shalt  }
0x66: {  	_ =	shalt  }
0x67: {  	_ =	shalt  }
0x68: {  	_ =	shalt  }
0x69: {  	_ =	shalt  }
0x6a: {  	_ =	shalt  }
0x6b: {  	_ =	shalt  }
0x6c: {  	_ =	shalt  }
0x6d: {  	_ =	shalt  }
0x6e: {  	_ =	shalt  }
0x6f: {  	_ =	shalt  }
0x70: {  	_ =	shalt  }
0x71: {  	_ =	shalt  }
0x72: {  	_ =	shalt  }
0x73: {  	_ =	shalt  }
0x74: {  	_ =	shalt  }
0x75: {  	_ =	shalt  }
0x76: {  	_ =	shalt  }
0x77: {  	_ =	shalt  }
0x78: {  	_ =	shalt  }
0x79: {  	_ =	shalt  }
0x7a: {  	_ =	shalt  }
0x7b: {  	_ =	shalt  }
0x7c: {  	_ =	shalt  }
0x7d: {  	_ =	shalt  }
0x7e: {  	_ =	shalt  }
0x7f: {  	_ =	shalt  }
0x80: {  	_ =	shalt  }
0x81: {  	_ =	shalt  }
0x82: {  	_ =	shalt  }
0x83: {  	_ =	shalt  }
0x84: {  	_ =	shalt  }
0x85: {  	_ =	shalt  }
0x86: {  	_ =	shalt  }
0x87: {  	_ =	shalt  }
.Lfunc_end0:
.L_simem_size_0:
called_computation_lowered:
.L_overlay_start_0:
0x88: {  	s2 =	sld [smem:$0x3FD9]  }
0x89: {  	s3 =	sld [smem:$0x3FFE];
	_ =	sdelay $0x1  }
0x8a: {  	s1 =	srdreg.scid  }
0x8b: {  	s0 =	sand.u32 $0x1, s1  }
0x8c: {  	s14 =	sshll.u32 s0, $0xA;
	s2 =	sadd.s32 s3, s2  }
0x8d: {  	s2 =	sadd.s32 s2, s14  }
0x8e: {  	[smem:$0x3FB0] =	sst s2  }
0x8f: {  	_ = 	snop  }
0x90: {  	s2 =	sld [smem:$0x3FD0];
	_ =	sdelay $0x2  }
0x91: {  	s15 =	simm.s32 $0xA;
	s4 =	simm.s32 $0x10  }
0x92: {  	[smem:s4], [sflag:s15] =	dma.local [hbm:s2], $0x1  }
0x93: {  	_ =	swait.eq [sflag:s15], $0x1  }
0x94: {  	[sflag:s15] =	ssyncset.done $0x0  }
0x95: {  	[sflag:s15] =	ssyncadd.s32 $0xFFFFFFFF  }
0x96: {  	s16 =	sld [smem:$0x11];
	(tm) =	ssettm $0x1  }
0x97: {  	s17 =	sld [smem:$0x3FFB];
	_ =	sdelay $0x3  }
0x98: {  	_ =	strace s17  }
0x99: {  	s3 =	sld [smem:$0x3FFC];
	_ =	sdelay $0x3  }
0x9a: {  	_ =	strace s3  }
0x9b: {  	s3 =	sld [smem:$0x3FFD];
	_ =	sdelay $0x3  }
0x9c: {  	_ =	strace s3  }
0x9d: {  	_ =	strace $0x8FFFFFFF  }
0x9e: {  	s18 =	sld [smem:$0x3FDB];
	_ =	sdelay $0x1  }
0x9f: {  	s19 =	simm.s32 $_scs_section_size  }
0xa0: {  	s5 =	simm.s32 $_size__tile_overlayer_lowered;
	s6 =	simm.s32 $_tile_overlayer_lowered  }
0xa1: {  	s22 =	simm.s32 $0x1BFF;
	s21 =	sshll.u32 s6, $0x1;
	s3 =	sadd.s32 s19, s18  }
0xa2: {  	s7 =	simm.s32 $0x0;
	s20 =	sshll.u32 s5, $0x1;
	s5 =	sadd.s32 s21, s3  }
0xa3: {  	[timem:s7], [sflag:s22] =	dma.local [hbm:s5], s20  }
0xa4: {  	_ =	swait.ge [sflag:s22], s20  }
0xa5: {  	s4 =	ssub.s32 $0x0, s20;
	[sflag:s22] =	ssyncset.done $0x0  }
0xa6: {  	[sflag:s22] =	ssyncadd.s32 s4;
	_ =	sdelay $0x1  }
0xa7: {  	s23 =	simm.s32 $0x1B8B  }
0xa8: {  	_ =	swait.ge [sflag:s23], $0x1  }
0xa9: {  	[sflag:s23] =	ssyncset.done $0x0  }
0xaa: {  	s25 =	simm.s32 $0x1B8E;
	s24 =	sld [smem:$0x3FFE];
	[sflag:s23] =	ssyncadd.s32 $0xFFFFFFFF  }
0xab: {  	s26 =	simm.s32 $execute0_lowered;
	[smem:$0x3FD2] =	sst s25  }
0xac: {  	s5 =	sshll.u32 s26, $0x1;
	_ =	strace $0x80000046;
	[dreg:$0x1] =	wrdreg $0xFFFFFFFF  }
0xad: {  	s28 =	simm.s32 $_size_execute0_lowered;
	s3 =	sadd.s32 s3, s5;
	[dreg:$0x0] =	wrdreg $0x0  }
0xae: {  	s5 =	sshll.u32 s28, $0x1;
	[dreg:$0x2] =	wrdreg s3  }
0xaf: {  	[dreg:$0x3] =	wrdreg s5  }
0xb0: {  	[dreg:$0x4] =	wrdreg $0xC0  }
0xb1: {  	_ =	task [dreg:s7], $0x5FFFF  }
0xb2: {  	[dreg:$0x1] =	wrdreg $0xFFFFFFFF  }
0xb3: {  	[dreg:$0x0] =	wrdreg $0x60  }
0xb4: {  	[dreg:$0x2] =	wrdreg s16  }
0xb5: {  	[dreg:$0x3] =	wrdreg s24  }
0xb6: {  	[dreg:$0x4] =	wrdreg $0x9  }
0xb7: {  	_ =	task.clear_ibuf [dreg:s7], $0x5FFFF;
	_ =	strace $0x90000046  }
0xb8: {  	s29 =	simm.s32 $0x9;
	_ =	strace $0x80000048  }
0xb9: {  	_ =	swait.ge [sflag:s29], $0x1  }
0xba: {  	[sflag:s29] =	ssyncadd.s32 $0xFFFFFFFF  }
0xbb: {  	_ =	strace $0x90000048  }
0xbc: {  	_ =	sfence  }
0xbd: {  	s30 =	sld [smem:$0x0];
	_ =	sdelay $0x2  }
0xbe: {  	s31 =	sshll.u32 s1, $0xD;
	s1 =	sshrl.u32 s1, $0x2  }
0xbf: {  	s3 =	sand.u32 $0x4000, s31;
	s1 =	sadd.s32 s1, s30  }
0xc0: {  	s0 =	sor.u32 s3, s0;
	s1 =	sshll.u32 s1, $0x11  }
0xc1: {  	s0 =	sor.u32 s1, s0  }
0xc2: {  	s0 =	sadd.s32 $0x8F2B, s0  }
0xc3: {  	[sflag:s0] =	ssyncadd.remote.s32 $0x1  }
0xc4: {  	_ =	sfence.sel $0xFFFF  }
0xc5: {  	[dreg:$0x0] =	wrdreg $0xFFFFFFFF;
	(pc) =	sbr.abs _section_cstart, $3  }
0xc6: {  	[dreg:$0x1] =	wrdreg $0xFFFFFFFF  }
0xc7: {  	_ =	task.clear_ibuf [dreg:s7], $0x2FFFF;
	_ =	strace $0x9FFFFFFF  }
0xc8: {  	(tm) =	ssettm $0x7FFFFFFF  }
0xc9: {  	_ =	shalt  }
tec
execute0_lowered:
.L_overlay_start_1:
0x0: {  	(tag) =	ssettag $0x1  }
0x1: {  	s2 =	rddreg [dreg:$0x0]  }
0x2: {  	s4 =	rddreg [dreg:$0x1]  }
0x3: {  	s0 =	rddreg [dreg:$0x2];
	s1 =	stileid.u32  }
0x4: {  	s5 =	srdreg.scid;
	s6 =	smul.u32 $0x4E20, s1  }
0x5: {  	s3 =	simm.s32 $0x0;
	s5 =	sand.u32 $0x1, s5;
	s8 =	smul.u32 $0x27100, s1  }
0x6: {  	s11 =	simm.s32 $0x1;
	s12 =	simm.s32 $0x0;
	s7 =	smul.u32 $0x2710, s5  }
0x7: {  	[smem:$0x7FF] =	sst s3;
	s29 =	ssub.s32 $0x2, s5;
	s5 =	smul.u32 $0x13880, s5  }
0x8: {  	_ =	strace $0x80000047;
	s8 =	sadd.s32 s8, s4;
	s9 =	sshrl.u32 s29, $0x1  }
0x9: {  	s6 =	sadd.s32 s7, s6;
	s30 =	ssub.s32 s29, s9;
	s31 =	sadd.s32 s5, s8  }
0xa: {  	s9 =	simm.s32 $0x2;
	s6 =	sshrl.u32 s6, $0x3;
	s5 =	sadd.s32 $0x3E400, s31  }
0xb: {  	s10 =	sadd.s32 s6, s4;
	s4 =	smax.u32 s30, $0x1;
	s6 =	sadd.s32 $0x2AF400, s31  }
0xc: {  	s7 =	sadd.s32 $0x3600, s10;
	s8 =	sadd.s32 $0xD400, s10;
	s10 =	simm.s32 $0x50  }
.LBB2_1:
0xd: {  	s13 =	sadd.s32 $0x0, s8  }
0xe: {  	[tilespmem:s3], [sflag:$0x2] =	stream.linear.gather [hbm4b:s13+s3], $0x50, $0x38;
	[tilespmem:$0x1450] =	vst v63  }
0xf: {  	_ =	swait.ge [sflag:s9], $0x50  }
0x10: {  	[sflag:s9] =	ssyncset.done $0x0  }
0x11: {  	[sflag:s9] =	ssyncadd.s32 $0xFFFFFFB0  }
0x12: {  	[tilespmem:s10], [sflag:$0x1] =	stream.indirect.gather [hbm4b:s2+s10], $0x40, s3, s10, $0xb8;
	[tilespmem:$0x1450] =	vst v63  }
0x13: {  	_ =	swait.ge [sflag:s11], $0x1400  }
0x14: {  	[sflag:s11] =	ssyncset.done $0x0  }
0x15: {  	[sflag:s11] =	ssyncadd.s32 $0xFFFFEC00  }
0x16: {  	[hbm4b:s6+s3] =	stream.linear.scatter [tilespmem:s10], [sflag:$0x2], $0x1400, $0x38;
	[tilespmem:$0x1450] =	vst v63  }
0x17: {  	_ =	swait.ge [sflag:s9], $0x1400  }
0x18: {  	[sflag:s9] =	ssyncset.done $0x0  }
0x19: {  	s31 =	sadd.s32 $0x0, s7;
	[sflag:s9] =	ssyncadd.s32 $0xFFFFEC00  }
0x1a: {  	[tilespmem:s3], [sflag:$0x2] =	stream.linear.gather [hbm4b:s31+s3], $0x50, $0x38;
	[tilespmem:$0x1450] =	vst v63  }
0x1b: {  	_ =	swait.ge [sflag:s9], $0x50  }
0x1c: {  	[sflag:s9] =	ssyncset.done $0x0  }
0x1d: {  	[sflag:s9] =	ssyncadd.s32 $0xFFFFFFB0  }
0x1e: {  	[tilespmem:s10], [sflag:$0x1] =	stream.indirect.gather [hbm4b:s2+s10], $0x40, s3, s10, $0xb8;
	[tilespmem:$0x1450] =	vst v63  }
0x1f: {  	_ =	swait.ge [sflag:s11], $0x1400  }
0x20: {  	[sflag:s11] =	ssyncset.done $0x0  }
0x21: {  	[sflag:s11] =	ssyncadd.s32 $0xFFFFEC00  }
0x22: {  	[hbm4b:s5+s3] =	stream.linear.scatter [tilespmem:s10], [sflag:$0x2], $0x1400, $0x38;
	[tilespmem:$0x1450] =	vst v63  }
0x23: {  	s14 =	simm.s32 $0xA;
	s16 =	simm.s32 $0x14;
	_ =	swait.ge [sflag:s9], $0x1400  }
0x24: {  	s15 =	sadd.s32 $0x280, s6;
	s13 =	sadd.s32 $0x280, s5;
	[sflag:s9] =	ssyncset.done $0x0  }
.LBB2_2:
0x25: {  	s17 =	sadd.s32 s14, s8  }
0x26: {  	[sflag:s9] =	ssyncadd.s32 $0xFFFFEC00;
	s18 =	smov.u32 s16;
	s19 =	sadd.s32 $0xA, s16  }
0x27: {  	[tilespmem:s3], [sflag:$0x2] =	stream.linear.gather [hbm4b:s17+s3], $0x50, $0x38;
	[tilespmem:$0x1450] =	vst v63  }
0x28: {  	p0 =	sne.s32 s16, $0x4D8;
	_ =	swait.ge [sflag:s9], $0x50  }
0x29: {  	[sflag:s9] =	ssyncset.done $0x0  }
0x2a: {  	[sflag:s9] =	ssyncadd.s32 $0xFFFFFFB0  }
0x2b: {  	[tilespmem:s10], [sflag:$0x1] =	stream.indirect.gather [hbm4b:s2+s10], $0x40, s3, s10, $0xb8;
	[tilespmem:$0x1450] =	vst v63  }
0x2c: {  	_ =	swait.ge [sflag:s11], $0x1400  }
0x2d: {  	[sflag:s11] =	ssyncset.done $0x0  }
0x2e: {  	[sflag:s11] =	ssyncadd.s32 $0xFFFFEC00  }
0x2f: {  	[hbm4b:s15+s3] =	stream.linear.scatter [tilespmem:s10], [sflag:$0x2], $0x1400, $0x38;
	[tilespmem:$0x1450] =	vst v63  }
0x30: {  	_ =	swait.ge [sflag:s9], $0x1400  }
0x31: {  	[sflag:s9] =	ssyncset.done $0x0  }
0x32: {  	s16 =	sadd.s32 s14, s7;
	s14 =	smov.u32 s18;
	[sflag:s9] =	ssyncadd.s32 $0xFFFFEC00  }
0x33: {  	[tilespmem:s3], [sflag:$0x2] =	stream.linear.gather [hbm4b:s16+s3], $0x50, $0x38;
	[tilespmem:$0x1450] =	vst v63  }
0x34: {  	_ =	swait.ge [sflag:s9], $0x50  }
0x35: {  	[sflag:s9] =	ssyncset.done $0x0  }
0x36: {  	[sflag:s9] =	ssyncadd.s32 $0xFFFFFFB0  }
0x37: {  	[tilespmem:s10], [sflag:$0x1] =	stream.indirect.gather [hbm4b:s2+s10], $0x40, s3, s10, $0xb8;
	[tilespmem:$0x1450] =	vst v63  }
0x38: {  	_ =	swait.ge [sflag:s11], $0x1400  }
.Ltmp0:
0x39: {  	[sflag:s11] =	ssyncset.done $0x0;
	(pc) =	sbr.rel @p0 .LBB2_2-.Ltmp0, $4  }
0x3a: {  	[sflag:s11] =	ssyncadd.s32 $0xFFFFEC00  }
0x3b: {  	[hbm4b:s13+s3] =	stream.linear.scatter [tilespmem:s10], [sflag:$0x2], $0x1400, $0x38;
	[tilespmem:$0x1450] =	vst v63  }
0x3c: {  	s15 =	sadd.s32 $0x280, s15;
	_ =	swait.ge [sflag:s9], $0x1400  }
0x3d: {  	s16 =	smov.u32 s19;
	s13 =	sadd.s32 $0x280, s13;
	[sflag:s9] =	ssyncset.done $0x0  }
0x3e: {  	s16 =	sadd.s32 s14, s8;
	[sflag:s9] =	ssyncadd.s32 $0xFFFFEC00  }
0x3f: {  	[tilespmem:s3], [sflag:$0x2] =	stream.linear.gather [hbm4b:s16+s3], $0x50, $0x38;
	[tilespmem:$0x1450] =	vst v63  }
0x40: {  	_ =	swait.ge [sflag:s9], $0x50  }
0x41: {  	[sflag:s9] =	ssyncset.done $0x0  }
0x42: {  	[sflag:s9] =	ssyncadd.s32 $0xFFFFFFB0  }
0x43: {  	[tilespmem:s10], [sflag:$0x1] =	stream.indirect.gather [hbm4b:s2+s10], $0x40, s3, s10, $0xb8;
	[tilespmem:$0x1450] =	vst v63  }
0x44: {  	_ =	swait.ge [sflag:s11], $0x1400  }
0x45: {  	[sflag:s11] =	ssyncset.done $0x0  }
0x46: {  	[sflag:s11] =	ssyncadd.s32 $0xFFFFEC00  }
0x47: {  	[hbm4b:s15+s3] =	stream.linear.scatter [tilespmem:s10], [sflag:$0x2], $0x1400, $0x38;
	[tilespmem:$0x1450] =	vst v63  }
0x48: {  	_ =	swait.ge [sflag:s9], $0x1400  }
0x49: {  	[sflag:s9] =	ssyncset.done $0x0  }
0x4a: {  	s31 =	sadd.s32 s14, s7;
	[sflag:s9] =	ssyncadd.s32 $0xFFFFEC00  }
0x4b: {  	[tilespmem:s3], [sflag:$0x2] =	stream.linear.gather [hbm4b:s31+s3], $0x50, $0x38;
	[tilespmem:$0x1450] =	vst v63  }
0x4c: {  	_ =	swait.ge [sflag:s9], $0x50  }
0x4d: {  	[sflag:s9] =	ssyncset.done $0x0  }
0x4e: {  	[sflag:s9] =	ssyncadd.s32 $0xFFFFFFB0  }
0x4f: {  	[tilespmem:s10], [sflag:$0x1] =	stream.indirect.gather [hbm4b:s2+s10], $0x40, s3, s10, $0xb8;
	[tilespmem:$0x1450] =	vst v63  }
0x50: {  	s12 =	sadd.s32 $0x1, s12;
	_ =	swait.ge [sflag:s11], $0x1400  }
0x51: {  	p0 =	sne.s32 s12, s4;
	[sflag:s11] =	ssyncset.done $0x0  }
.Ltmp1:
0x52: {  	[sflag:s11] =	ssyncadd.s32 $0xFFFFEC00;
	(pc) =	sbr.rel @p0 .LBB2_1-.Ltmp1, $4  }
0x53: {  	[hbm4b:s13+s3] =	stream.linear.scatter [tilespmem:s10], [sflag:$0x2], $0x1400, $0x38;
	[tilespmem:$0x1450] =	vst v63  }
0x54: {  	_ =	swait.ge [sflag:s9], $0x1400  }
0x55: {  	[sflag:s9] =	ssyncset.done $0x0  }
0x56: {  	[sflag:s9] =	ssyncadd.s32 $0xFFFFEC00  }
0x57: {  	_ =	sfence.sel $0x180000  }
0x58: {  	[bflag:$0x0] =	sbarrier.arrive $0xFFFF  }
0x59: {  	p0 =	sne.s32 s1, $0x0;
	_ =	strace $0x90000047  }
0x5a: {  	s0 =	sadd.s32 @!p0 $0x100000, s0;
	[bflag:$0x2] =	sbarrier.arrive $0xFFFF  }
0x5b: {  	[sflag:s0] =	ssyncadd.tile.s32 @!p0 $0x1;
	_ =	shalt  }
.Lfunc_end2:
_tile_overlayer_lowered:
.L_overlay_start_2:
0x5c: {  	(tag) =	ssettag $0x2  }
0x5d: {  	s0 =	rddreg [dreg:$0x0];
	s2 =	stileid.u32  }
0x5e: {  	s1 =	rddreg [dreg:$0x1];
	p0 =	sne.s32 s2, $0x0  }
0x5f: {  	s3 =	rddreg [dreg:$0x2];
	[bflag:$0x3] =	sbarrier.arrive $0xFFFF;
	s2 =	simm.s32 @!p0 $0x1C02  }
0x60: {  	[timem:s3], [sflag:s2] =	dma.local @!p0 [hbm:s0], s1  }
0x61: {  	s0 =	simm.s32 @!p0 $0x2  }
0x62: {  	_ =	swait.ge @!p0 [sflag:s0], s1  }
0x63: {  	s1 =	ssub.s32 @!p0 $0x0, s1;
	[sflag:s0] =	ssyncset.done @!p0 $0x0  }
0x64: {  	[sflag:s0] =	ssyncadd.s32 @!p0 s1  }
0x65: {  	[bflag:$0x3] =	sbarrier.arrive $0xFFFF  }
0x66: {  	_ =	shalt  }

</sc_bundles>
